<compile_context>
chip_gen: v7x
topology: tpu7x:2x2x1
jax: 0.10.2.dev20260603
libtpu: 0.0.44.dev20260713+nightly
codegen_flags: <defaults>
</compile_context>

<pallas_src>
import jax
import jax.numpy as jnp
from jax import lax
from jax.experimental import pallas as pl
from jax.experimental.pallas import tpu as pltpu
from jax.experimental.pallas import tpu_sc as plsc

N_ATOMS = 100000
N_GRAPHS = 1024
N_MODALS = 4
N_TYPES = 16

_L = 16
_NW = 32
_CHUNK = 3136
_TAIL = N_ATOMS - (_NW - 1) * _CHUNK
_TAIL_BASE = (_NW - 1) * _CHUNK


def _sc_body(energy_hbm, batch_hbm, modal_hbm, atype_hbm, shift_hbm,
             scale_hbm, out_hbm, energy_v, batch_v, atype_v, out_v,
             modal_v, shift_v, scale_v, sems):
    wid = lax.axis_index("s") * 2 + lax.axis_index("c")
    base = wid * _CHUNK

    table_copies = [
        pltpu.async_copy(modal_hbm, modal_v, sems.at[3]),
        pltpu.async_copy(shift_hbm, shift_v, sems.at[4]),
        pltpu.async_copy(scale_hbm, scale_v, sems.at[5]),
    ]

    @pl.when(wid < _NW - 1)
    def _():
        copies = [
            pltpu.async_copy(batch_hbm.at[pl.ds(base, _CHUNK)], batch_v,
                             sems.at[0]),
            pltpu.async_copy(atype_hbm.at[pl.ds(base, _CHUNK)], atype_v,
                             sems.at[1]),
            pltpu.async_copy(energy_hbm.at[pl.ds(base, _CHUNK)], energy_v,
                             sems.at[2]),
        ]
        for cp in copies:
            cp.wait()

    @pl.when(wid == _NW - 1)
    def _():
        copies = [
            pltpu.async_copy(batch_hbm.at[pl.ds(_TAIL_BASE, _TAIL)],
                             batch_v.at[pl.ds(0, _TAIL)], sems.at[0]),
            pltpu.async_copy(atype_hbm.at[pl.ds(_TAIL_BASE, _TAIL)],
                             atype_v.at[pl.ds(0, _TAIL)], sems.at[1]),
            pltpu.async_copy(energy_hbm.at[pl.ds(_TAIL_BASE, _TAIL)],
                             energy_v.at[pl.ds(0, _TAIL)], sems.at[2]),
        ]
        for cp in copies:
            cp.wait()
        zi = jnp.zeros((_L,), jnp.int32)
        for off in range(_TAIL, _CHUNK, _L):
            batch_v[pl.ds(off, _L)] = zi
            atype_v[pl.ds(off, _L)] = zi

    for cp in table_copies:
        cp.wait()

    @plsc.parallel_loop(0, _CHUNK, step=_L, unroll=8)
    def _(off):
        b = batch_v[pl.ds(off, _L)]
        t = atype_v[pl.ds(off, _L)]
        m = plsc.load_gather(modal_v, [b])
        c = plsc.load_gather(scale_v, [m, t])
        s = plsc.load_gather(shift_v, [m, t])
        e = energy_v[pl.ds(off, _L)]
        out_v[pl.ds(off, _L)] = e * c + s

    @pl.when(wid < _NW - 1)
    def _():
        pltpu.sync_copy(out_v, out_hbm.at[pl.ds(base, _CHUNK)])

    @pl.when(wid == _NW - 1)
    def _():
        pltpu.sync_copy(out_v.at[pl.ds(0, _TAIL)],
                        out_hbm.at[pl.ds(_TAIL_BASE, _TAIL)])


@jax.jit
def _rescale(energy, batch, modal_type, atom_type, shift, scale):
    mesh = plsc.VectorSubcoreMesh(core_axis_name="c", subcore_axis_name="s")
    run = pl.kernel(
        _sc_body,
        mesh=mesh,
        compiler_params=pltpu.CompilerParams(needs_layout_passes=False),
        out_type=jax.ShapeDtypeStruct((N_ATOMS,), jnp.float32),
        scratch_types=[
            pltpu.VMEM((_CHUNK,), jnp.float32),
            pltpu.VMEM((_CHUNK,), jnp.int32),
            pltpu.VMEM((_CHUNK,), jnp.int32),
            pltpu.VMEM((_CHUNK,), jnp.float32),
            pltpu.VMEM((N_GRAPHS,), jnp.int32),
            pltpu.VMEM((N_MODALS, N_TYPES), jnp.float32),
            pltpu.VMEM((N_MODALS, N_TYPES), jnp.float32),
            pltpu.SemaphoreType.DMA((6,)),
        ],
    )
    return run(energy, batch, modal_type, atom_type, shift, scale)


def kernel(scaled_atomic_energy, batch, modal_type, atom_type, shift, scale):
    out = _rescale(scaled_atomic_energy.reshape(-1),
                   batch.astype(jnp.int32),
                   modal_type.astype(jnp.int32),
                   atom_type.astype(jnp.int32),
                   shift, scale)
    return out.reshape(-1, 1)

# --- scband reference (transcript-rebuilt; emitter-appended) ---
"""Pipeline reference for scband-modal-wise-rescale-33328946217134 (READ-ONLY COPY).

The authoritative reference and input builder live on the scoring server;
editing this copy changes nothing except your own understanding.
"""

import jax, jax.numpy as jnp
import numpy as np

N_ATOMS = 100000
N_GRAPHS = 1024
N_MODALS = 4
N_TYPES = 16


def setup_inputs(seed: int = 0) -> dict:
    key = jax.random.key(seed)
    k1, k2, k3, k4, k5, k6 = jax.random.split(key, 6)
    scaled_atomic_energy = jax.random.normal(k1, (N_ATOMS, 1), dtype=jnp.float32)
    batch = jnp.sort(jax.random.randint(k2, (N_ATOMS,), 0, N_GRAPHS)).astype(jnp.int64)
    modal_type = jax.random.randint(k3, (N_GRAPHS,), 0, N_MODALS).astype(jnp.int64)
    atom_type = jax.random.randint(k4, (N_ATOMS,), 0, N_TYPES).astype(jnp.int64)
    # learned parameters sized per init_kwargs: (n_modals, n_atom_types)
    shift = jax.random.normal(k5, (N_MODALS, N_TYPES), dtype=jnp.float32) * 0.5
    scale = 1.0 + jax.random.normal(k6, (N_MODALS, N_TYPES), dtype=jnp.float32) * 0.1
    return {
        "scaled_atomic_energy": scaled_atomic_energy,
        "batch": batch,
        "modal_type": modal_type,
        "atom_type": atom_type,
        "shift": shift,
        "scale": scale,
    }


def reference(scaled_atomic_energy, batch, modal_type, atom_type, shift, scale):
    # modal_indices = data[modal_type][batch]  (per-graph modal id gathered to atoms)
    modal_indices = jnp.take(modal_type, batch, axis=0)
    # modal-wise + atom-wise shift/scale gathers
    s = shift[modal_indices, atom_type]
    c = scale[modal_indices, atom_type]
    out = scaled_atomic_energy * c.reshape(-1, 1) + s.reshape(-1, 1)
    return out

if __name__ == "__main__":
    import jax
    _d = setup_inputs()
    print(jax.jit(kernel)(*tuple(_d.values())))

</pallas_src>

<mosaic_0001>
#map = affine_map<(d0, d1) -> (0)>
#map1 = affine_map<(d0, d1) -> (0, 0)>
module attributes {stable_mosaic.version = 14 : i64} {
  func.func @_sc_body(%arg0: i32, %arg1: i32, %arg2: memref<100000xf32, #tpu.memory_space<hbm>>, %arg3: memref<100000xi32, #tpu.memory_space<hbm>>, %arg4: memref<1024xi32, #tpu.memory_space<hbm>>, %arg5: memref<100000xi32, #tpu.memory_space<hbm>>, %arg6: memref<4x16xf32, #tpu.memory_space<hbm>>, %arg7: memref<4x16xf32, #tpu.memory_space<hbm>>, %arg8: memref<100000xf32, #tpu.memory_space<hbm>>, %arg9: memref<3136xf32, #tpu.memory_space<vmem>>, %arg10: memref<3136xi32, #tpu.memory_space<vmem>>, %arg11: memref<3136xi32, #tpu.memory_space<vmem>>, %arg12: memref<3136xf32, #tpu.memory_space<vmem>>, %arg13: memref<1024xi32, #tpu.memory_space<vmem>>, %arg14: memref<4x16xf32, #tpu.memory_space<vmem>>, %arg15: memref<4x16xf32, #tpu.memory_space<vmem>>, %arg16: memref<6x!tpu.dma_semaphore, #tpu.memory_space<semaphore_mem>>) attributes {dimension_semantics = [#tpu.dimension_semantics<core_parallel>, #tpu.dimension_semantics<subcore_parallel>], iteration_bounds = array<i64: 2, 16>, scalar_prefetch = 0 : i64, scratch_operands = 8 : i64, tpu.core_type = #tpu.core_type<sc_vector_subcore>, window_params = [{transform_indices = #map}, {transform_indices = #map}, {transform_indices = #map}, {transform_indices = #map}, {transform_indices = #map1}, {transform_indices = #map1}, {transform_indices = #map}]} {
    %mul3A = arith.constant 2 : i32
    %mul3A_0 = arith.muli %arg1, %mul3A : i32
    %add3A = arith.addi %mul3A_0, %arg0 : i32
    %mul3A_1 = arith.constant 3136 : i32
    %mul3A_2 = arith.muli %add3A, %mul3A_1 : i32
    %dma_start3A = arith.constant 3 : i32
    %dma_start3A_3 = tpu.memref_slice %arg16[%dma_start3A] : memref<6x!tpu.dma_semaphore, #tpu.memory_space<semaphore_mem>> -> memref<1x!tpu.dma_semaphore, #tpu.memory_space<semaphore_mem>>
    %dma_start3A_4 = tpu.memref_squeeze %dma_start3A_3 : memref<1x!tpu.dma_semaphore, #tpu.memory_space<semaphore_mem>> -> memref<!tpu.dma_semaphore, #tpu.memory_space<semaphore_mem>>
    tpu.enqueue_dma source(%arg4 : memref<1024xi32, #tpu.memory_space<hbm>>) target(%arg13 : memref<1024xi32, #tpu.memory_space<vmem>>) target_semaphore(%dma_start3A_4 : memref<!tpu.dma_semaphore, #tpu.memory_space<semaphore_mem>>)
    %dma_start3A_5 = arith.constant 4 : i32
    %dma_start3A_6 = tpu.memref_slice %arg16[%dma_start3A_5] : memref<6x!tpu.dma_semaphore, #tpu.memory_space<semaphore_mem>> -> memref<1x!tpu.dma_semaphore, #tpu.memory_space<semaphore_mem>>
    %dma_start3A_7 = tpu.memref_squeeze %dma_start3A_6 : memref<1x!tpu.dma_semaphore, #tpu.memory_space<semaphore_mem>> -> memref<!tpu.dma_semaphore, #tpu.memory_space<semaphore_mem>>
    tpu.enqueue_dma source(%arg6 : memref<4x16xf32, #tpu.memory_space<hbm>>) target(%arg14 : memref<4x16xf32, #tpu.memory_space<vmem>>) target_semaphore(%dma_start3A_7 : memref<!tpu.dma_semaphore, #tpu.memory_space<semaphore_mem>>)
    %dma_start3A_8 = arith.constant 5 : i32
    %dma_start3A_9 = tpu.memref_slice %arg16[%dma_start3A_8] : memref<6x!tpu.dma_semaphore, #tpu.memory_space<semaphore_mem>> -> memref<1x!tpu.dma_semaphore, #tpu.memory_space<semaphore_mem>>
    %dma_start3A_10 = tpu.memref_squeeze %dma_start3A_9 : memref<1x!tpu.dma_semaphore, #tpu.memory_space<semaphore_mem>> -> memref<!tpu.dma_semaphore, #tpu.memory_space<semaphore_mem>>
    tpu.enqueue_dma source(%arg7 : memref<4x16xf32, #tpu.memory_space<hbm>>) target(%arg15 : memref<4x16xf32, #tpu.memory_space<vmem>>) target_semaphore(%dma_start3A_10 : memref<!tpu.dma_semaphore, #tpu.memory_space<semaphore_mem>>)
    %lt3A = arith.constant 31 : i32
    %lt3A_11 = arith.cmpi slt, %add3A, %lt3A : i32
    %convert_element_type3A = arith.extui %lt3A_11 : i1 to i32
    %cond3A = arith.constant 0 : i32
    %cond3A_12 = arith.cmpi ne, %convert_element_type3A, %cond3A : i32
    scf.if %cond3A_12 {
      %dma_start3A_37 = arith.constant 0 : i32
      %dma_start3A_38 = tpu.memref_slice %arg3[%mul3A_2] : memref<100000xi32, #tpu.memory_space<hbm>> -> memref<3136xi32, #tpu.memory_space<hbm>>
      %dma_start3A_39 = tpu.memref_slice %arg16[%dma_start3A_37] : memref<6x!tpu.dma_semaphore, #tpu.memory_space<semaphore_mem>> -> memref<1x!tpu.dma_semaphore, #tpu.memory_space<semaphore_mem>>
      %dma_start3A_40 = tpu.memref_squeeze %dma_start3A_39 : memref<1x!tpu.dma_semaphore, #tpu.memory_space<semaphore_mem>> -> memref<!tpu.dma_semaphore, #tpu.memory_space<semaphore_mem>>
      %dma_start3A_41 = tpu.memref_slice %arg3[%mul3A_2] : memref<100000xi32, #tpu.memory_space<hbm>> -> memref<3136xi32, #tpu.memory_space<hbm>>
      tpu.enqueue_dma source(%dma_start3A_41 : memref<3136xi32, #tpu.memory_space<hbm>>) target(%arg10 : memref<3136xi32, #tpu.memory_space<vmem>>) target_semaphore(%dma_start3A_40 : memref<!tpu.dma_semaphore, #tpu.memory_space<semaphore_mem>>)
      %dma_start3A_42 = arith.constant 1 : i32
      %dma_start3A_43 = tpu.memref_slice %arg5[%mul3A_2] : memref<100000xi32, #tpu.memory_space<hbm>> -> memref<3136xi32, #tpu.memory_space<hbm>>
      %dma_start3A_44 = tpu.memref_slice %arg16[%dma_start3A_42] : memref<6x!tpu.dma_semaphore, #tpu.memory_space<semaphore_mem>> -> memref<1x!tpu.dma_semaphore, #tpu.memory_space<semaphore_mem>>
      %dma_start3A_45 = tpu.memref_squeeze %dma_start3A_44 : memref<1x!tpu.dma_semaphore, #tpu.memory_space<semaphore_mem>> -> memref<!tpu.dma_semaphore, #tpu.memory_space<semaphore_mem>>
      %dma_start3A_46 = tpu.memref_slice %arg5[%mul3A_2] : memref<100000xi32, #tpu.memory_space<hbm>> -> memref<3136xi32, #tpu.memory_space<hbm>>
      tpu.enqueue_dma source(%dma_start3A_46 : memref<3136xi32, #tpu.memory_space<hbm>>) target(%arg11 : memref<3136xi32, #tpu.memory_space<vmem>>) target_semaphore(%dma_start3A_45 : memref<!tpu.dma_semaphore, #tpu.memory_space<semaphore_mem>>)
      %dma_start3A_47 = arith.constant 2 : i32
      %dma_start3A_48 = tpu.memref_slice %arg2[%mul3A_2] : memref<100000xf32, #tpu.memory_space<hbm>> -> memref<3136xf32, #tpu.memory_space<hbm>>
      %dma_start3A_49 = tpu.memref_slice %arg16[%dma_start3A_47] : memref<6x!tpu.dma_semaphore, #tpu.memory_space<semaphore_mem>> -> memref<1x!tpu.dma_semaphore, #tpu.memory_space<semaphore_mem>>
      %dma_start3A_50 = tpu.memref_squeeze %dma_start3A_49 : memref<1x!tpu.dma_semaphore, #tpu.memory_space<semaphore_mem>> -> memref<!tpu.dma_semaphore, #tpu.memory_space<semaphore_mem>>
      %dma_start3A_51 = tpu.memref_slice %arg2[%mul3A_2] : memref<100000xf32, #tpu.memory_space<hbm>> -> memref<3136xf32, #tpu.memory_space<hbm>>
      tpu.enqueue_dma source(%dma_start3A_51 : memref<3136xf32, #tpu.memory_space<hbm>>) target(%arg9 : memref<3136xf32, #tpu.memory_space<vmem>>) target_semaphore(%dma_start3A_50 : memref<!tpu.dma_semaphore, #tpu.memory_space<semaphore_mem>>)
      %dma_wait3A_52 = arith.constant 0 : i32
      %dma_wait3A_53 = tpu.memref_slice %arg3[%mul3A_2] : memref<100000xi32, #tpu.memory_space<hbm>> -> memref<3136xi32, #tpu.memory_space<hbm>>
      %dma_wait3A_54 = tpu.memref_slice %arg16[%dma_wait3A_52] : memref<6x!tpu.dma_semaphore, #tpu.memory_space<semaphore_mem>> -> memref<1x!tpu.dma_semaphore, #tpu.memory_space<semaphore_mem>>
      %dma_wait3A_55 = tpu.memref_squeeze %dma_wait3A_54 : memref<1x!tpu.dma_semaphore, #tpu.memory_space<semaphore_mem>> -> memref<!tpu.dma_semaphore, #tpu.memory_space<semaphore_mem>>
      %dma_wait3A_56 = tpu.memref_slice %arg3[%mul3A_2] : memref<100000xi32, #tpu.memory_space<hbm>> -> memref<3136xi32, #tpu.memory_space<hbm>>
      tpu.wait_dma2 semaphore(%dma_wait3A_55 : memref<!tpu.dma_semaphore, #tpu.memory_space<semaphore_mem>>) src(%dma_wait3A_56 : memref<3136xi32, #tpu.memory_space<hbm>>) dst(%arg10 : memref<3136xi32, #tpu.memory_space<vmem>>)
      %dma_wait3A_57 = arith.constant 1 : i32
      %dma_wait3A_58 = tpu.memref_slice %arg5[%mul3A_2] : memref<100000xi32, #tpu.memory_space<hbm>> -> memref<3136xi32, #tpu.memory_space<hbm>>
      %dma_wait3A_59 = tpu.memref_slice %arg16[%dma_wait3A_57] : memref<6x!tpu.dma_semaphore, #tpu.memory_space<semaphore_mem>> -> memref<1x!tpu.dma_semaphore, #tpu.memory_space<semaphore_mem>>
      %dma_wait3A_60 = tpu.memref_squeeze %dma_wait3A_59 : memref<1x!tpu.dma_semaphore, #tpu.memory_space<semaphore_mem>> -> memref<!tpu.dma_semaphore, #tpu.memory_space<semaphore_mem>>
      %dma_wait3A_61 = tpu.memref_slice %arg5[%mul3A_2] : memref<100000xi32, #tpu.memory_space<hbm>> -> memref<3136xi32, #tpu.memory_space<hbm>>
      tpu.wait_dma2 semaphore(%dma_wait3A_60 : memref<!tpu.dma_semaphore, #tpu.memory_space<semaphore_mem>>) src(%dma_wait3A_61 : memref<3136xi32, #tpu.memory_space<hbm>>) dst(%arg11 : memref<3136xi32, #tpu.memory_space<vmem>>)
      %dma_wait3A_62 = arith.constant 2 : i32
      %dma_wait3A_63 = tpu.memref_slice %arg2[%mul3A_2] : memref<100000xf32, #tpu.memory_space<hbm>> -> memref<3136xf32, #tpu.memory_space<hbm>>
      %dma_wait3A_64 = tpu.memref_slice %arg16[%dma_wait3A_62] : memref<6x!tpu.dma_semaphore, #tpu.memory_space<semaphore_mem>> -> memref<1x!tpu.dma_semaphore, #tpu.memory_space<semaphore_mem>>
      %dma_wait3A_65 = tpu.memref_squeeze %dma_wait3A_64 : memref<1x!tpu.dma_semaphore, #tpu.memory_space<semaphore_mem>> -> memref<!tpu.dma_semaphore, #tpu.memory_space<semaphore_mem>>
      %dma_wait3A_66 = tpu.memref_slice %arg2[%mul3A_2] : memref<100000xf32, #tpu.memory_space<hbm>> -> memref<3136xf32, #tpu.memory_space<hbm>>
      tpu.wait_dma2 semaphore(%dma_wait3A_65 : memref<!tpu.dma_semaphore, #tpu.memory_space<semaphore_mem>>) src(%dma_wait3A_66 : memref<3136xf32, #tpu.memory_space<hbm>>) dst(%arg9 : memref<3136xf32, #tpu.memory_space<vmem>>)
    } else {
    }
    %eq3A = arith.constant 31 : i32
    %eq3A_13 = arith.cmpi eq, %add3A, %eq3A : i32
    %convert_element_type3A_14 = arith.extui %eq3A_13 : i1 to i32
    %cond3A_15 = arith.constant 0 : i32
    %cond3A_16 = arith.cmpi ne, %convert_element_type3A_14, %cond3A_15 : i32
    scf.if %cond3A_16 {
      %dma_start3A_37 = arith.constant 0 : i32
      %dma_start3A_38 = arith.constant 0 : i32
      %dma_start3A_39 = tpu.memref_slice %arg10[%dma_start3A_38] : memref<3136xi32, #tpu.memory_space<vmem>> -> memref<2784xi32, #tpu.memory_space<vmem>>
      %dma_start3A_40 = arith.constant 97216 : i32
      %dma_start3A_41 = tpu.memref_slice %arg3[%dma_start3A_40] : memref<100000xi32, #tpu.memory_space<hbm>> -> memref<2784xi32, #tpu.memory_space<hbm>>
      %dma_start3A_42 = tpu.memref_slice %arg16[%dma_start3A_37] : memref<6x!tpu.dma_semaphore, #tpu.memory_space<semaphore_mem>> -> memref<1x!tpu.dma_semaphore, #tpu.memory_space<semaphore_mem>>
      %dma_start3A_43 = tpu.memref_squeeze %dma_start3A_42 : memref<1x!tpu.dma_semaphore, #tpu.memory_space<semaphore_mem>> -> memref<!tpu.dma_semaphore, #tpu.memory_space<semaphore_mem>>
      %dma_start3A_44 = arith.constant 0 : i32
      %dma_start3A_45 = tpu.memref_slice %arg10[%dma_start3A_44] : memref<3136xi32, #tpu.memory_space<vmem>> -> memref<2784xi32, #tpu.memory_space<vmem>>
      %dma_start3A_46 = arith.constant 97216 : i32
      %dma_start3A_47 = tpu.memref_slice %arg3[%dma_start3A_46] : memref<100000xi32, #tpu.memory_space<hbm>> -> memref<2784xi32, #tpu.memory_space<hbm>>
      tpu.enqueue_dma source(%dma_start3A_47 : memref<2784xi32, #tpu.memory_space<hbm>>) target(%dma_start3A_45 : memref<2784xi32, #tpu.memory_space<vmem>>) target_semaphore(%dma_start3A_43 : memref<!tpu.dma_semaphore, #tpu.memory_space<semaphore_mem>>)
      %dma_start3A_48 = arith.constant 1 : i32
      %dma_start3A_49 = arith.constant 0 : i32
      %dma_start3A_50 = tpu.memref_slice %arg11[%dma_start3A_49] : memref<3136xi32, #tpu.memory_space<vmem>> -> memref<2784xi32, #tpu.memory_space<vmem>>
      %dma_start3A_51 = arith.constant 97216 : i32
      %dma_start3A_52 = tpu.memref_slice %arg5[%dma_start3A_51] : memref<100000xi32, #tpu.memory_space<hbm>> -> memref<2784xi32, #tpu.memory_space<hbm>>
      %dma_start3A_53 = tpu.memref_slice %arg16[%dma_start3A_48] : memref<6x!tpu.dma_semaphore, #tpu.memory_space<semaphore_mem>> -> memref<1x!tpu.dma_semaphore, #tpu.memory_space<semaphore_mem>>
      %dma_start3A_54 = tpu.memref_squeeze %dma_start3A_53 : memref<1x!tpu.dma_semaphore, #tpu.memory_space<semaphore_mem>> -> memref<!tpu.dma_semaphore, #tpu.memory_space<semaphore_mem>>
      %dma_start3A_55 = arith.constant 0 : i32
      %dma_start3A_56 = tpu.memref_slice %arg11[%dma_start3A_55] : memref<3136xi32, #tpu.memory_space<vmem>> -> memref<2784xi32, #tpu.memory_space<vmem>>
      %dma_start3A_57 = arith.constant 97216 : i32
      %dma_start3A_58 = tpu.memref_slice %arg5[%dma_start3A_57] : memref<100000xi32, #tpu.memory_space<hbm>> -> memref<2784xi32, #tpu.memory_space<hbm>>
      tpu.enqueue_dma source(%dma_start3A_58 : memref<2784xi32, #tpu.memory_space<hbm>>) target(%dma_start3A_56 : memref<2784xi32, #tpu.memory_space<vmem>>) target_semaphore(%dma_start3A_54 : memref<!tpu.dma_semaphore, #tpu.memory_space<semaphore_mem>>)
      %dma_start3A_59 = arith.constant 2 : i32
      %dma_start3A_60 = arith.constant 0 : i32
      %dma_start3A_61 = tpu.memref_slice %arg9[%dma_start3A_60] : memref<3136xf32, #tpu.memory_space<vmem>> -> memref<2784xf32, #tpu.memory_space<vmem>>
      %dma_start3A_62 = arith.constant 97216 : i32
      %dma_start3A_63 = tpu.memref_slice %arg2[%dma_start3A_62] : memref<100000xf32, #tpu.memory_space<hbm>> -> memref<2784xf32, #tpu.memory_space<hbm>>
      %dma_start3A_64 = tpu.memref_slice %arg16[%dma_start3A_59] : memref<6x!tpu.dma_semaphore, #tpu.memory_space<semaphore_mem>> -> memref<1x!tpu.dma_semaphore, #tpu.memory_space<semaphore_mem>>
      %dma_start3A_65 = tpu.memref_squeeze %dma_start3A_64 : memref<1x!tpu.dma_semaphore, #tpu.memory_space<semaphore_mem>> -> memref<!tpu.dma_semaphore, #tpu.memory_space<semaphore_mem>>
      %dma_start3A_66 = arith.constant 0 : i32
      %dma_start3A_67 = tpu.memref_slice %arg9[%dma_start3A_66] : memref<3136xf32, #tpu.memory_space<vmem>> -> memref<2784xf32, #tpu.memory_space<vmem>>
      %dma_start3A_68 = arith.constant 97216 : i32
      %dma_start3A_69 = tpu.memref_slice %arg2[%dma_start3A_68] : memref<100000xf32, #tpu.memory_space<hbm>> -> memref<2784xf32, #tpu.memory_space<hbm>>
      tpu.enqueue_dma source(%dma_start3A_69 : memref<2784xf32, #tpu.memory_space<hbm>>) target(%dma_start3A_67 : memref<2784xf32, #tpu.memory_space<vmem>>) target_semaphore(%dma_start3A_65 : memref<!tpu.dma_semaphore, #tpu.memory_space<semaphore_mem>>)
      %dma_wait3A_70 = arith.constant 0 : i32
      %dma_wait3A_71 = arith.constant 0 : i32
      %dma_wait3A_72 = tpu.memref_slice %arg10[%dma_wait3A_71] : memref<3136xi32, #tpu.memory_space<vmem>> -> memref<2784xi32, #tpu.memory_space<vmem>>
      %dma_wait3A_73 = arith.constant 97216 : i32
      %dma_wait3A_74 = tpu.memref_slice %arg3[%dma_wait3A_73] : memref<100000xi32, #tpu.memory_space<hbm>> -> memref<2784xi32, #tpu.memory_space<hbm>>
      %dma_wait3A_75 = tpu.memref_slice %arg16[%dma_wait3A_70] : memref<6x!tpu.dma_semaphore, #tpu.memory_space<semaphore_mem>> -> memref<1x!tpu.dma_semaphore, #tpu.memory_space<semaphore_mem>>
      %dma_wait3A_76 = tpu.memref_squeeze %dma_wait3A_75 : memref<1x!tpu.dma_semaphore, #tpu.memory_space<semaphore_mem>> -> memref<!tpu.dma_semaphore, #tpu.memory_space<semaphore_mem>>
      %dma_wait3A_77 = arith.constant 0 : i32
      %dma_wait3A_78 = tpu.memref_slice %arg10[%dma_wait3A_77] : memref<3136xi32, #tpu.memory_space<vmem>> -> memref<2784xi32, #tpu.memory_space<vmem>>
      %dma_wait3A_79 = arith.constant 97216 : i32
      %dma_wait3A_80 = tpu.memref_slice %arg3[%dma_wait3A_79] : memref<100000xi32, #tpu.memory_space<hbm>> -> memref<2784xi32, #tpu.memory_space<hbm>>
      tpu.wait_dma2 semaphore(%dma_wait3A_76 : memref<!tpu.dma_semaphore, #tpu.memory_space<semaphore_mem>>) src(%dma_wait3A_80 : memref<2784xi32, #tpu.memory_space<hbm>>) dst(%dma_wait3A_78 : memref<2784xi32, #tpu.memory_space<vmem>>)
      %dma_wait3A_81 = arith.constant 1 : i32
      %dma_wait3A_82 = arith.constant 0 : i32
      %dma_wait3A_83 = tpu.memref_slice %arg11[%dma_wait3A_82] : memref<3136xi32, #tpu.memory_space<vmem>> -> memref<2784xi32, #tpu.memory_space<vmem>>
      %dma_wait3A_84 = arith.constant 97216 : i32
      %dma_wait3A_85 = tpu.memref_slice %arg5[%dma_wait3A_84] : memref<100000xi32, #tpu.memory_space<hbm>> -> memref<2784xi32, #tpu.memory_space<hbm>>
      %dma_wait3A_86 = tpu.memref_slice %arg16[%dma_wait3A_81] : memref<6x!tpu.dma_semaphore, #tpu.memory_space<semaphore_mem>> -> memref<1x!tpu.dma_semaphore, #tpu.memory_space<semaphore_mem>>
      %dma_wait3A_87 = tpu.memref_squeeze %dma_wait3A_86 : memref<1x!tpu.dma_semaphore, #tpu.memory_space<semaphore_mem>> -> memref<!tpu.dma_semaphore, #tpu.memory_space<semaphore_mem>>
      %dma_wait3A_88 = arith.constant 0 : i32
      %dma_wait3A_89 = tpu.memref_slice %arg11[%dma_wait3A_88] : memref<3136xi32, #tpu.memory_space<vmem>> -> memref<2784xi32, #tpu.memory_space<vmem>>
      %dma_wait3A_90 = arith.constant 97216 : i32
      %dma_wait3A_91 = tpu.memref_slice %arg5[%dma_wait3A_90] : memref<100000xi32, #tpu.memory_space<hbm>> -> memref<2784xi32, #tpu.memory_space<hbm>>
      tpu.wait_dma2 semaphore(%dma_wait3A_87 : memref<!tpu.dma_semaphore, #tpu.memory_space<semaphore_mem>>) src(%dma_wait3A_91 : memref<2784xi32, #tpu.memory_space<hbm>>) dst(%dma_wait3A_89 : memref<2784xi32, #tpu.memory_space<vmem>>)
      %dma_wait3A_92 = arith.constant 2 : i32
      %dma_wait3A_93 = arith.constant 0 : i32
      %dma_wait3A_94 = tpu.memref_slice %arg9[%dma_wait3A_93] : memref<3136xf32, #tpu.memory_space<vmem>> -> memref<2784xf32, #tpu.memory_space<vmem>>
      %dma_wait3A_95 = arith.constant 97216 : i32
      %dma_wait3A_96 = tpu.memref_slice %arg2[%dma_wait3A_95] : memref<100000xf32, #tpu.memory_space<hbm>> -> memref<2784xf32, #tpu.memory_space<hbm>>
      %dma_wait3A_97 = tpu.memref_slice %arg16[%dma_wait3A_92] : memref<6x!tpu.dma_semaphore, #tpu.memory_space<semaphore_mem>> -> memref<1x!tpu.dma_semaphore, #tpu.memory_space<semaphore_mem>>
      %dma_wait3A_98 = tpu.memref_squeeze %dma_wait3A_97 : memref<1x!tpu.dma_semaphore, #tpu.memory_space<semaphore_mem>> -> memref<!tpu.dma_semaphore, #tpu.memory_space<semaphore_mem>>
      %dma_wait3A_99 = arith.constant 0 : i32
      %dma_wait3A_100 = tpu.memref_slice %arg9[%dma_wait3A_99] : memref<3136xf32, #tpu.memory_space<vmem>> -> memref<2784xf32, #tpu.memory_space<vmem>>
      %dma_wait3A_101 = arith.constant 97216 : i32
      %dma_wait3A_102 = tpu.memref_slice %arg2[%dma_wait3A_101] : memref<100000xf32, #tpu.memory_space<hbm>> -> memref<2784xf32, #tpu.memory_space<hbm>>
      tpu.wait_dma2 semaphore(%dma_wait3A_98 : memref<!tpu.dma_semaphore, #tpu.memory_space<semaphore_mem>>) src(%dma_wait3A_102 : memref<2784xf32, #tpu.memory_space<hbm>>) dst(%dma_wait3A_100 : memref<2784xf32, #tpu.memory_space<vmem>>)
      %broadcast_in_dim3A = arith.constant 0 : i32
      %broadcast_in_dim3A_103 = vector.broadcast %broadcast_in_dim3A : i32 to vector<16xi32>
      %swap3A = arith.constant 2784 : index
      %swap3A_104 = tpu.vector_load %arg10[%swap3A] {strides = array<i32>} : memref<3136xi32, #tpu.memory_space<vmem>>, vector<16xi32>,
      tpu.vector_store %arg10[%swap3A], %broadcast_in_dim3A_103 {strides = array<i32>} : memref<3136xi32, #tpu.memory_space<vmem>>, vector<16xi32>,
      %swap3A_105 = arith.constant 2784 : index
      %swap3A_106 = tpu.vector_load %arg11[%swap3A_105] {strides = array<i32>} : memref<3136xi32, #tpu.memory_space<vmem>>, vector<16xi32>,
      tpu.vector_store %arg11[%swap3A_105], %broadcast_in_dim3A_103 {strides = array<i32>} : memref<3136xi32, #tpu.memory_space<vmem>>, vector<16xi32>,
      %swap3A_107 = arith.constant 2800 : index
      %swap3A_108 = tpu.vector_load %arg10[%swap3A_107] {strides = array<i32>} : memref<3136xi32, #tpu.memory_space<vmem>>, vector<16xi32>,
      tpu.vector_store %arg10[%swap3A_107], %broadcast_in_dim3A_103 {strides = array<i32>} : memref<3136xi32, #tpu.memory_space<vmem>>, vector<16xi32>,
      %swap3A_109 = arith.constant 2800 : index
      %swap3A_110 = tpu.vector_load %arg11[%swap3A_109] {strides = array<i32>} : memref<3136xi32, #tpu.memory_space<vmem>>, vector<16xi32>,
      tpu.vector_store %arg11[%swap3A_109], %broadcast_in_dim3A_103 {strides = array<i32>} : memref<3136xi32, #tpu.memory_space<vmem>>, vector<16xi32>,
      %swap3A_111 = arith.constant 2816 : index
      %swap3A_112 = tpu.vector_load %arg10[%swap3A_111] {strides = array<i32>} : memref<3136xi32, #tpu.memory_space<vmem>>, vector<16xi32>,
      tpu.vector_store %arg10[%swap3A_111], %broadcast_in_dim3A_103 {strides = array<i32>} : memref<3136xi32, #tpu.memory_space<vmem>>, vector<16xi32>,
      %swap3A_113 = arith.constant 2816 : index
      %swap3A_114 = tpu.vector_load %arg11[%swap3A_113] {strides = array<i32>} : memref<3136xi32, #tpu.memory_space<vmem>>, vector<16xi32>,
      tpu.vector_store %arg11[%swap3A_113], %broadcast_in_dim3A_103 {strides = array<i32>} : memref<3136xi32, #tpu.memory_space<vmem>>, vector<16xi32>,
      %swap3A_115 = arith.constant 2832 : index
      %swap3A_116 = tpu.vector_load %arg10[%swap3A_115] {strides = array<i32>} : memref<3136xi32, #tpu.memory_space<vmem>>, vector<16xi32>,
      tpu.vector_store %arg10[%swap3A_115], %broadcast_in_dim3A_103 {strides = array<i32>} : memref<3136xi32, #tpu.memory_space<vmem>>, vector<16xi32>,
      %swap3A_117 = arith.constant 2832 : index
      %swap3A_118 = tpu.vector_load %arg11[%swap3A_117] {strides = array<i32>} : memref<3136xi32, #tpu.memory_space<vmem>>, vector<16xi32>,
      tpu.vector_store %arg11[%swap3A_117], %broadcast_in_dim3A_103 {strides = array<i32>} : memref<3136xi32, #tpu.memory_space<vmem>>, vector<16xi32>,
      %swap3A_119 = arith.constant 2848 : index
      %swap3A_120 = tpu.vector_load %arg10[%swap3A_119] {strides = array<i32>} : memref<3136xi32, #tpu.memory_space<vmem>>, vector<16xi32>,
      tpu.vector_store %arg10[%swap3A_119], %broadcast_in_dim3A_103 {strides = array<i32>} : memref<3136xi32, #tpu.memory_space<vmem>>, vector<16xi32>,
      %swap3A_121 = arith.constant 2848 : index
      %swap3A_122 = tpu.vector_load %arg11[%swap3A_121] {strides = array<i32>} : memref<3136xi32, #tpu.memory_space<vmem>>, vector<16xi32>,
      tpu.vector_store %arg11[%swap3A_121], %broadcast_in_dim3A_103 {strides = array<i32>} : memref<3136xi32, #tpu.memory_space<vmem>>, vector<16xi32>,
      %swap3A_123 = arith.constant 2864 : index
      %swap3A_124 = tpu.vector_load %arg10[%swap3A_123] {strides = array<i32>} : memref<3136xi32, #tpu.memory_space<vmem>>, vector<16xi32>,
      tpu.vector_store %arg10[%swap3A_123], %broadcast_in_dim3A_103 {strides = array<i32>} : memref<3136xi32, #tpu.memory_space<vmem>>, vector<16xi32>,
      %swap3A_125 = arith.constant 2864 : index
      %swap3A_126 = tpu.vector_load %arg11[%swap3A_125] {strides = array<i32>} : memref<3136xi32, #tpu.memory_space<vmem>>, vector<16xi32>,
      tpu.vector_store %arg11[%swap3A_125], %broadcast_in_dim3A_103 {strides = array<i32>} : memref<3136xi32, #tpu.memory_space<vmem>>, vector<16xi32>,
      %swap3A_127 = arith.constant 2880 : index
      %swap3A_128 = tpu.vector_load %arg10[%swap3A_127] {strides = array<i32>} : memref<3136xi32, #tpu.memory_space<vmem>>, vector<16xi32>,
      tpu.vector_store %arg10[%swap3A_127], %broadcast_in_dim3A_103 {strides = array<i32>} : memref<3136xi32, #tpu.memory_space<vmem>>, vector<16xi32>,
      %swap3A_129 = arith.constant 2880 : index
      %swap3A_130 = tpu.vector_load %arg11[%swap3A_129] {strides = array<i32>} : memref<3136xi32, #tpu.memory_space<vmem>>, vector<16xi32>,
      tpu.vector_store %arg11[%swap3A_129], %broadcast_in_dim3A_103 {strides = array<i32>} : memref<3136xi32, #tpu.memory_space<vmem>>, vector<16xi32>,
      %swap3A_131 = arith.constant 2896 : index
      %swap3A_132 = tpu.vector_load %arg10[%swap3A_131] {strides = array<i32>} : memref<3136xi32, #tpu.memory_space<vmem>>, vector<16xi32>,
      tpu.vector_store %arg10[%swap3A_131], %broadcast_in_dim3A_103 {strides = array<i32>} : memref<3136xi32, #tpu.memory_space<vmem>>, vector<16xi32>,
      %swap3A_133 = arith.constant 2896 : index
      %swap3A_134 = tpu.vector_load %arg11[%swap3A_133] {strides = array<i32>} : memref<3136xi32, #tpu.memory_space<vmem>>, vector<16xi32>,
      tpu.vector_store %arg11[%swap3A_133], %broadcast_in_dim3A_103 {strides = array<i32>} : memref<3136xi32, #tpu.memory_space<vmem>>, vector<16xi32>,
      %swap3A_135 = arith.constant 2912 : index
      %swap3A_136 = tpu.vector_load %arg10[%swap3A_135] {strides = array<i32>} : memref<3136xi32, #tpu.memory_space<vmem>>, vector<16xi32>,
      tpu.vector_store %arg10[%swap3A_135], %broadcast_in_dim3A_103 {strides = array<i32>} : memref<3136xi32, #tpu.memory_space<vmem>>, vector<16xi32>,
      %swap3A_137 = arith.constant 2912 : index
      %swap3A_138 = tpu.vector_load %arg11[%swap3A_137] {strides = array<i32>} : memref<3136xi32, #tpu.memory_space<vmem>>, vector<16xi32>,
      tpu.vector_store %arg11[%swap3A_137], %broadcast_in_dim3A_103 {strides = array<i32>} : memref<3136xi32, #tpu.memory_space<vmem>>, vector<16xi32>,
      %swap3A_139 = arith.constant 2928 : index
      %swap3A_140 = tpu.vector_load %arg10[%swap3A_139] {strides = array<i32>} : memref<3136xi32, #tpu.memory_space<vmem>>, vector<16xi32>,
      tpu.vector_store %arg10[%swap3A_139], %broadcast_in_dim3A_103 {strides = array<i32>} : memref<3136xi32, #tpu.memory_space<vmem>>, vector<16xi32>,
      %swap3A_141 = arith.constant 2928 : index
      %swap3A_142 = tpu.vector_load %arg11[%swap3A_141] {strides = array<i32>} : memref<3136xi32, #tpu.memory_space<vmem>>, vector<16xi32>,
      tpu.vector_store %arg11[%swap3A_141], %broadcast_in_dim3A_103 {strides = array<i32>} : memref<3136xi32, #tpu.memory_space<vmem>>, vector<16xi32>,
      %swap3A_143 = arith.constant 2944 : index
      %swap3A_144 = tpu.vector_load %arg10[%swap3A_143] {strides = array<i32>} : memref<3136xi32, #tpu.memory_space<vmem>>, vector<16xi32>,
      tpu.vector_store %arg10[%swap3A_143], %broadcast_in_dim3A_103 {strides = array<i32>} : memref<3136xi32, #tpu.memory_space<vmem>>, vector<16xi32>,
      %swap3A_145 = arith.constant 2944 : index
      %swap3A_146 = tpu.vector_load %arg11[%swap3A_145] {strides = array<i32>} : memref<3136xi32, #tpu.memory_space<vmem>>, vector<16xi32>,
      tpu.vector_store %arg11[%swap3A_145], %broadcast_in_dim3A_103 {strides = array<i32>} : memref<3136xi32, #tpu.memory_space<vmem>>, vector<16xi32>,
      %swap3A_147 = arith.constant 2960 : index
      %swap3A_148 = tpu.vector_load %arg10[%swap3A_147] {strides = array<i32>} : memref<3136xi32, #tpu.memory_space<vmem>>, vector<16xi32>,
      tpu.vector_store %arg10[%swap3A_147], %broadcast_in_dim3A_103 {strides = array<i32>} : memref<3136xi32, #tpu.memory_space<vmem>>, vector<16xi32>,
      %swap3A_149 = arith.constant 2960 : index
      %swap3A_150 = tpu.vector_load %arg11[%swap3A_149] {strides = array<i32>} : memref<3136xi32, #tpu.memory_space<vmem>>, vector<16xi32>,
      tpu.vector_store %arg11[%swap3A_149], %broadcast_in_dim3A_103 {strides = array<i32>} : memref<3136xi32, #tpu.memory_space<vmem>>, vector<16xi32>,
      %swap3A_151 = arith.constant 2976 : index
      %swap3A_152 = tpu.vector_load %arg10[%swap3A_151] {strides = array<i32>} : memref<3136xi32, #tpu.memory_space<vmem>>, vector<16xi32>,
      tpu.vector_store %arg10[%swap3A_151], %broadcast_in_dim3A_103 {strides = array<i32>} : memref<3136xi32, #tpu.memory_space<vmem>>, vector<16xi32>,
      %swap3A_153 = arith.constant 2976 : index
      %swap3A_154 = tpu.vector_load %arg11[%swap3A_153] {strides = array<i32>} : memref<3136xi32, #tpu.memory_space<vmem>>, vector<16xi32>,
      tpu.vector_store %arg11[%swap3A_153], %broadcast_in_dim3A_103 {strides = array<i32>} : memref<3136xi32, #tpu.memory_space<vmem>>, vector<16xi32>,
      %swap3A_155 = arith.constant 2992 : index
      %swap3A_156 = tpu.vector_load %arg10[%swap3A_155] {strides = array<i32>} : memref<3136xi32, #tpu.memory_space<vmem>>, vector<16xi32>,
      tpu.vector_store %arg10[%swap3A_155], %broadcast_in_dim3A_103 {strides = array<i32>} : memref<3136xi32, #tpu.memory_space<vmem>>, vector<16xi32>,
      %swap3A_157 = arith.constant 2992 : index
      %swap3A_158 = tpu.vector_load %arg11[%swap3A_157] {strides = array<i32>} : memref<3136xi32, #tpu.memory_space<vmem>>, vector<16xi32>,
      tpu.vector_store %arg11[%swap3A_157], %broadcast_in_dim3A_103 {strides = array<i32>} : memref<3136xi32, #tpu.memory_space<vmem>>, vector<16xi32>,
      %swap3A_159 = arith.constant 3008 : index
      %swap3A_160 = tpu.vector_load %arg10[%swap3A_159] {strides = array<i32>} : memref<3136xi32, #tpu.memory_space<vmem>>, vector<16xi32>,
      tpu.vector_store %arg10[%swap3A_159], %broadcast_in_dim3A_103 {strides = array<i32>} : memref<3136xi32, #tpu.memory_space<vmem>>, vector<16xi32>,
      %swap3A_161 = arith.constant 3008 : index
      %swap3A_162 = tpu.vector_load %arg11[%swap3A_161] {strides = array<i32>} : memref<3136xi32, #tpu.memory_space<vmem>>, vector<16xi32>,
      tpu.vector_store %arg11[%swap3A_161], %broadcast_in_dim3A_103 {strides = array<i32>} : memref<3136xi32, #tpu.memory_space<vmem>>, vector<16xi32>,
      %swap3A_163 = arith.constant 3024 : index
      %swap3A_164 = tpu.vector_load %arg10[%swap3A_163] {strides = array<i32>} : memref<3136xi32, #tpu.memory_space<vmem>>, vector<16xi32>,
      tpu.vector_store %arg10[%swap3A_163], %broadcast_in_dim3A_103 {strides = array<i32>} : memref<3136xi32, #tpu.memory_space<vmem>>, vector<16xi32>,
      %swap3A_165 = arith.constant 3024 : index
      %swap3A_166 = tpu.vector_load %arg11[%swap3A_165] {strides = array<i32>} : memref<3136xi32, #tpu.memory_space<vmem>>, vector<16xi32>,
      tpu.vector_store %arg11[%swap3A_165], %broadcast_in_dim3A_103 {strides = array<i32>} : memref<3136xi32, #tpu.memory_space<vmem>>, vector<16xi32>,
      %swap3A_167 = arith.constant 3040 : index
      %swap3A_168 = tpu.vector_load %arg10[%swap3A_167] {strides = array<i32>} : memref<3136xi32, #tpu.memory_space<vmem>>, vector<16xi32>,
      tpu.vector_store %arg10[%swap3A_167], %broadcast_in_dim3A_103 {strides = array<i32>} : memref<3136xi32, #tpu.memory_space<vmem>>, vector<16xi32>,
      %swap3A_169 = arith.constant 3040 : index
      %swap3A_170 = tpu.vector_load %arg11[%swap3A_169] {strides = array<i32>} : memref<3136xi32, #tpu.memory_space<vmem>>, vector<16xi32>,
      tpu.vector_store %arg11[%swap3A_169], %broadcast_in_dim3A_103 {strides = array<i32>} : memref<3136xi32, #tpu.memory_space<vmem>>, vector<16xi32>,
      %swap3A_171 = arith.constant 3056 : index
      %swap3A_172 = tpu.vector_load %arg10[%swap3A_171] {strides = array<i32>} : memref<3136xi32, #tpu.memory_space<vmem>>, vector<16xi32>,
      tpu.vector_store %arg10[%swap3A_171], %broadcast_in_dim3A_103 {strides = array<i32>} : memref<3136xi32, #tpu.memory_space<vmem>>, vector<16xi32>,
      %swap3A_173 = arith.constant 3056 : index
      %swap3A_174 = tpu.vector_load %arg11[%swap3A_173] {strides = array<i32>} : memref<3136xi32, #tpu.memory_space<vmem>>, vector<16xi32>,
      tpu.vector_store %arg11[%swap3A_173], %broadcast_in_dim3A_103 {strides = array<i32>} : memref<3136xi32, #tpu.memory_space<vmem>>, vector<16xi32>,
      %swap3A_175 = arith.constant 3072 : index
      %swap3A_176 = tpu.vector_load %arg10[%swap3A_175] {strides = array<i32>} : memref<3136xi32, #tpu.memory_space<vmem>>, vector<16xi32>,
      tpu.vector_store %arg10[%swap3A_175], %broadcast_in_dim3A_103 {strides = array<i32>} : memref<3136xi32, #tpu.memory_space<vmem>>, vector<16xi32>,
      %swap3A_177 = arith.constant 3072 : index
      %swap3A_178 = tpu.vector_load %arg11[%swap3A_177] {strides = array<i32>} : memref<3136xi32, #tpu.memory_space<vmem>>, vector<16xi32>,
      tpu.vector_store %arg11[%swap3A_177], %broadcast_in_dim3A_103 {strides = array<i32>} : memref<3136xi32, #tpu.memory_space<vmem>>, vector<16xi32>,
      %swap3A_179 = arith.constant 3088 : index
      %swap3A_180 = tpu.vector_load %arg10[%swap3A_179] {strides = array<i32>} : memref<3136xi32, #tpu.memory_space<vmem>>, vector<16xi32>,
      tpu.vector_store %arg10[%swap3A_179], %broadcast_in_dim3A_103 {strides = array<i32>} : memref<3136xi32, #tpu.memory_space<vmem>>, vector<16xi32>,
      %swap3A_181 = arith.constant 3088 : index
      %swap3A_182 = tpu.vector_load %arg11[%swap3A_181] {strides = array<i32>} : memref<3136xi32, #tpu.memory_space<vmem>>, vector<16xi32>,
      tpu.vector_store %arg11[%swap3A_181], %broadcast_in_dim3A_103 {strides = array<i32>} : memref<3136xi32, #tpu.memory_space<vmem>>, vector<16xi32>,
      %swap3A_183 = arith.constant 3104 : index
      %swap3A_184 = tpu.vector_load %arg10[%swap3A_183] {strides = array<i32>} : memref<3136xi32, #tpu.memory_space<vmem>>, vector<16xi32>,
      tpu.vector_store %arg10[%swap3A_183], %broadcast_in_dim3A_103 {strides = array<i32>} : memref<3136xi32, #tpu.memory_space<vmem>>, vector<16xi32>,
      %swap3A_185 = arith.constant 3104 : index
      %swap3A_186 = tpu.vector_load %arg11[%swap3A_185] {strides = array<i32>} : memref<3136xi32, #tpu.memory_space<vmem>>, vector<16xi32>,
      tpu.vector_store %arg11[%swap3A_185], %broadcast_in_dim3A_103 {strides = array<i32>} : memref<3136xi32, #tpu.memory_space<vmem>>, vector<16xi32>,
      %swap3A_187 = arith.constant 3120 : index
      %swap3A_188 = tpu.vector_load %arg10[%swap3A_187] {strides = array<i32>} : memref<3136xi32, #tpu.memory_space<vmem>>, vector<16xi32>,
      tpu.vector_store %arg10[%swap3A_187], %broadcast_in_dim3A_103 {strides = array<i32>} : memref<3136xi32, #tpu.memory_space<vmem>>, vector<16xi32>,
      %swap3A_189 = arith.constant 3120 : index
      %swap3A_190 = tpu.vector_load %arg11[%swap3A_189] {strides = array<i32>} : memref<3136xi32, #tpu.memory_space<vmem>>, vector<16xi32>,
      tpu.vector_store %arg11[%swap3A_189], %broadcast_in_dim3A_103 {strides = array<i32>} : memref<3136xi32, #tpu.memory_space<vmem>>, vector<16xi32>,
    } else {
    }
    %dma_wait3A = arith.constant 3 : i32
    %dma_wait3A_17 = tpu.memref_slice %arg16[%dma_wait3A] : memref<6x!tpu.dma_semaphore, #tpu.memory_space<semaphore_mem>> -> memref<1x!tpu.dma_semaphore, #tpu.memory_space<semaphore_mem>>
    %dma_wait3A_18 = tpu.memref_squeeze %dma_wait3A_17 : memref<1x!tpu.dma_semaphore, #tpu.memory_space<semaphore_mem>> -> memref<!tpu.dma_semaphore, #tpu.memory_space<semaphore_mem>>
    tpu.wait_dma2 semaphore(%dma_wait3A_18 : memref<!tpu.dma_semaphore, #tpu.memory_space<semaphore_mem>>) src(%arg4 : memref<1024xi32, #tpu.memory_space<hbm>>) dst(%arg13 : memref<1024xi32, #tpu.memory_space<vmem>>)
    %dma_wait3A_19 = arith.constant 4 : i32
    %dma_wait3A_20 = tpu.memref_slice %arg16[%dma_wait3A_19] : memref<6x!tpu.dma_semaphore, #tpu.memory_space<semaphore_mem>> -> memref<1x!tpu.dma_semaphore, #tpu.memory_space<semaphore_mem>>
    %dma_wait3A_21 = tpu.memref_squeeze %dma_wait3A_20 : memref<1x!tpu.dma_semaphore, #tpu.memory_space<semaphore_mem>> -> memref<!tpu.dma_semaphore, #tpu.memory_space<semaphore_mem>>
    tpu.wait_dma2 semaphore(%dma_wait3A_21 : memref<!tpu.dma_semaphore, #tpu.memory_space<semaphore_mem>>) src(%arg6 : memref<4x16xf32, #tpu.memory_space<hbm>>) dst(%arg14 : memref<4x16xf32, #tpu.memory_space<vmem>>)
    %dma_wait3A_22 = arith.constant 5 : i32
    %dma_wait3A_23 = tpu.memref_slice %arg16[%dma_wait3A_22] : memref<6x!tpu.dma_semaphore, #tpu.memory_space<semaphore_mem>> -> memref<1x!tpu.dma_semaphore, #tpu.memory_space<semaphore_mem>>
    %dma_wait3A_24 = tpu.memref_squeeze %dma_wait3A_23 : memref<1x!tpu.dma_semaphore, #tpu.memory_space<semaphore_mem>> -> memref<!tpu.dma_semaphore, #tpu.memory_space<semaphore_mem>>
    tpu.wait_dma2 semaphore(%dma_wait3A_24 : memref<!tpu.dma_semaphore, #tpu.memory_space<semaphore_mem>>) src(%arg7 : memref<4x16xf32, #tpu.memory_space<hbm>>) dst(%arg15 : memref<4x16xf32, #tpu.memory_space<vmem>>)
    %parallel_loop3A = arith.constant 0 : i32
    %parallel_loop3A_25 = arith.constant 3136 : i32
    %parallel_loop3A_26 = arith.constant 16 : i32
    scf.for %parallel_loop3A_37 = %parallel_loop3A to %parallel_loop3A_25 step %parallel_loop3A_26  : i32 {
      %parallel_loop3A_38 = arith.index_cast %parallel_loop3A_37 : i32 to index
      %parallel_loop3A_39 = tpu.vector_load %arg10[%parallel_loop3A_38] {strides = array<i32>} : memref<3136xi32, #tpu.memory_space<vmem>>, vector<16xi32>,
      %parallel_loop3A_40 = arith.index_cast %parallel_loop3A_37 : i32 to index
      %parallel_loop3A_41 = tpu.vector_load %arg11[%parallel_loop3A_40] {strides = array<i32>} : memref<3136xi32, #tpu.memory_space<vmem>>, vector<16xi32>,
      %parallel_loop3A_42 = tpu.vector_load_idx %arg13[%parallel_loop3A_39] : memref<1024xi32, #tpu.memory_space<vmem>>[vector<16xi32>], vector<16xi32>,
      %parallel_loop3A_43 = tpu.vector_load_idx %arg15[%parallel_loop3A_42, %parallel_loop3A_41] : memref<4x16xf32, #tpu.memory_space<vmem>>[vector<16xi32>, vector<16xi32>], vector<16xf32>,
      %parallel_loop3A_44 = tpu.vector_load_idx %arg14[%parallel_loop3A_42, %parallel_loop3A_41] : memref<4x16xf32, #tpu.memory_space<vmem>>[vector<16xi32>, vector<16xi32>], vector<16xf32>,
      %parallel_loop3A_45 = arith.index_cast %parallel_loop3A_37 : i32 to index
      %parallel_loop3A_46 = tpu.vector_load %arg9[%parallel_loop3A_45] {strides = array<i32>} : memref<3136xf32, #tpu.memory_space<vmem>>, vector<16xf32>,
      %parallel_loop3A_47 = arith.mulf %parallel_loop3A_46, %parallel_loop3A_43 : vector<16xf32>
      %parallel_loop3A_48 = arith.addf %parallel_loop3A_47, %parallel_loop3A_44 : vector<16xf32>
      %parallel_loop3A_49 = arith.index_cast %parallel_loop3A_37 : i32 to index
      %parallel_loop3A_50 = tpu.vector_load %arg12[%parallel_loop3A_49] {strides = array<i32>} : memref<3136xf32, #tpu.memory_space<vmem>>, vector<16xf32>,
      tpu.vector_store %arg12[%parallel_loop3A_49], %parallel_loop3A_48 {strides = array<i32>} : memref<3136xf32, #tpu.memory_space<vmem>>, vector<16xf32>,
    } {sc.loop_unroll_factor = 8 : i64, sc.parallel_access}
    %lt3A_27 = arith.constant 31 : i32
    %lt3A_28 = arith.cmpi slt, %add3A, %lt3A_27 : i32
    %convert_element_type3A_29 = arith.extui %lt3A_28 : i1 to i32
    %cond3A_30 = arith.constant 0 : i32
    %cond3A_31 = arith.cmpi ne, %convert_element_type3A_29, %cond3A_30 : i32
    scf.if %cond3A_31 {
      "tpu.region"() ({
        %run_scoped3A = tpu.sem_alloc : memref<!tpu.dma_semaphore, #tpu.memory_space<semaphore_mem>>
        %dma_start3A_37 = tpu.memref_slice %arg8[%mul3A_2] : memref<100000xf32, #tpu.memory_space<hbm>> -> memref<3136xf32, #tpu.memory_space<hbm>>
        %dma_start3A_38 = tpu.memref_slice %arg8[%mul3A_2] : memref<100000xf32, #tpu.memory_space<hbm>> -> memref<3136xf32, #tpu.memory_space<hbm>>
        tpu.enqueue_dma source(%arg12 : memref<3136xf32, #tpu.memory_space<vmem>>) target(%dma_start3A_38 : memref<3136xf32, #tpu.memory_space<hbm>>) target_semaphore(%run_scoped3A : memref<!tpu.dma_semaphore, #tpu.memory_space<semaphore_mem>>)
        %dma_wait3A_39 = tpu.memref_slice %arg8[%mul3A_2] : memref<100000xf32, #tpu.memory_space<hbm>> -> memref<3136xf32, #tpu.memory_space<hbm>>
        %dma_wait3A_40 = tpu.memref_slice %arg8[%mul3A_2] : memref<100000xf32, #tpu.memory_space<hbm>> -> memref<3136xf32, #tpu.memory_space<hbm>>
        tpu.wait_dma2 semaphore(%run_scoped3A : memref<!tpu.dma_semaphore, #tpu.memory_space<semaphore_mem>>) src(%arg12 : memref<3136xf32, #tpu.memory_space<vmem>>) dst(%dma_wait3A_40 : memref<3136xf32, #tpu.memory_space<hbm>>)
        tpu.yield
      }) : () -> ()
    } else {
    }
    %eq3A_32 = arith.constant 31 : i32
    %eq3A_33 = arith.cmpi eq, %add3A, %eq3A_32 : i32
    %convert_element_type3A_34 = arith.extui %eq3A_33 : i1 to i32
    %cond3A_35 = arith.constant 0 : i32
    %cond3A_36 = arith.cmpi ne, %convert_element_type3A_34, %cond3A_35 : i32
    scf.if %cond3A_36 {
      "tpu.region"() ({
        %run_scoped3A = tpu.sem_alloc : memref<!tpu.dma_semaphore, #tpu.memory_space<semaphore_mem>>
        %dma_start3A_37 = arith.constant 0 : i32
        %dma_start3A_38 = tpu.memref_slice %arg12[%dma_start3A_37] : memref<3136xf32, #tpu.memory_space<vmem>> -> memref<2784xf32, #tpu.memory_space<vmem>>
        %dma_start3A_39 = arith.constant 97216 : i32
        %dma_start3A_40 = tpu.memref_slice %arg8[%dma_start3A_39] : memref<100000xf32, #tpu.memory_space<hbm>> -> memref<2784xf32, #tpu.memory_space<hbm>>
        %dma_start3A_41 = arith.constant 97216 : i32
        %dma_start3A_42 = tpu.memref_slice %arg8[%dma_start3A_41] : memref<100000xf32, #tpu.memory_space<hbm>> -> memref<2784xf32, #tpu.memory_space<hbm>>
        %dma_start3A_43 = arith.constant 0 : i32
        %dma_start3A_44 = tpu.memref_slice %arg12[%dma_start3A_43] : memref<3136xf32, #tpu.memory_space<vmem>> -> memref<2784xf32, #tpu.memory_space<vmem>>
        tpu.enqueue_dma source(%dma_start3A_44 : memref<2784xf32, #tpu.memory_space<vmem>>) target(%dma_start3A_42 : memref<2784xf32, #tpu.memory_space<hbm>>) target_semaphore(%run_scoped3A : memref<!tpu.dma_semaphore, #tpu.memory_space<semaphore_mem>>)
        %dma_wait3A_45 = arith.constant 0 : i32
        %dma_wait3A_46 = tpu.memref_slice %arg12[%dma_wait3A_45] : memref<3136xf32, #tpu.memory_space<vmem>> -> memref<2784xf32, #tpu.memory_space<vmem>>
        %dma_wait3A_47 = arith.constant 97216 : i32
        %dma_wait3A_48 = tpu.memref_slice %arg8[%dma_wait3A_47] : memref<100000xf32, #tpu.memory_space<hbm>> -> memref<2784xf32, #tpu.memory_space<hbm>>
        %dma_wait3A_49 = arith.constant 97216 : i32
        %dma_wait3A_50 = tpu.memref_slice %arg8[%dma_wait3A_49] : memref<100000xf32, #tpu.memory_space<hbm>> -> memref<2784xf32, #tpu.memory_space<hbm>>
        %dma_wait3A_51 = arith.constant 0 : i32
        %dma_wait3A_52 = tpu.memref_slice %arg12[%dma_wait3A_51] : memref<3136xf32, #tpu.memory_space<vmem>> -> memref<2784xf32, #tpu.memory_space<vmem>>
        tpu.wait_dma2 semaphore(%run_scoped3A : memref<!tpu.dma_semaphore, #tpu.memory_space<semaphore_mem>>) src(%dma_wait3A_52 : memref<2784xf32, #tpu.memory_space<vmem>>) dst(%dma_wait3A_50 : memref<2784xf32, #tpu.memory_space<hbm>>)
        tpu.yield
      }) : () -> ()
    } else {
    }
    return
  }
}

</mosaic_0001>

<sc_bundles>
// kernel: _rescale.3.cloned.1.call-start
scs
__scs_entry_jumppad:
0x0: {  	(pc) =	sbr.rel $0x88, $3  }
0x1: {  	(tag) =	ssettag $0x0;
	lr =	simm.s32 $0x1  }
0x2: {  	[smem:$0x3F9B] =	sst lr;
	_ =	strace $0xD0000000  }
0x3: {  	_ = 	snop  }
0x4: {  	_ = 	snop  }
0x5: {  	_ = 	snop  }
0x6: {  	_ = 	snop  }
0x7: {  	_ = 	snop  }
__scs_overlays_trampoline_lowered:
0x8: {  	[smem:$0x3FAA] =	sst s0  }
0x9: {  	[smem:$0x3FAB] =	sst s1  }
0xa: {  	[smem:$0x3FAC] =	sst s2  }
0xb: {  	[smem:$0x3FAD] =	sst s3  }
0xc: {  	[smem:$0x3FAE] =	sst s4  }
0xd: {  	[smem:$0x3FAF] =	sst s5  }
0xe: {  	[smem:$0x3FB0] =	sst s6  }
0xf: {  	[smem:$0x3FB1] =	sst s7  }
0x10: {  	[smem:$0x3FB2] =	sst s8  }
0x11: {  	[smem:$0x3FB3] =	sst s9;
	s0 =	simm.s32 @!p0 $0x0  }
0x12: {  	s1 =	sld [smem:$0x3F99];
	s0 =	simm.s32 @p0 $0x1  }
0x13: {  	[smem:$0x3FB4] =	sst s0;
	s0 =	simm.s32 @!p1 $0x0  }
0x14: {  	s2 =	sld [smem:$0x3F98];
	s0 =	simm.s32 @p1 $0x1  }
0x15: {  	[smem:$0x3FB5] =	sst s0;
	s0 =	simm.s32 @!p2 $0x0  }
0x16: {  	s3 =	sld [smem:$0x3FDB];
	s0 =	simm.s32 @p2 $0x1  }
0x17: {  	s4 =	simm.s32 $0x1BF5;
	[smem:$0x3FB7] =	sst s0  }
0x18: {  	s0 =	sld [smem:$0x3F9A];
	_ =	swait.ge [sflag:s4], $0x0  }
0x19: {  	s7 =	sld [smem:$0x3F9B]  }
0x1a: {  	s8 =	sadd.s32 $0xFFFFE003, lr  }
0x1b: {  	s9 =	sadd.s32 $0xFFFFFEF7, lr;
	s5 =	simm.s32 $0xFFFFFFFF;
	p2 =	slt.u32 s8, $0xFFFFF086  }
0x1c: {  	p1 =	slt.u32 s9, $0xF7A;
	s5 =	simm.s32 @!p2 $0x0  }
0x1d: {  	s5 =	simm.s32 @p1 $0x1;
	p0 =	seq.s32 s7, s2  }
0x1e: {  	s7 =	smul.u32 @!p0 $0xF7A, s2;
	p2 =	seq.s32 @!p0 s5, $0x0  }
0x1f: {  	s9 =	smul.u32 $0xF7A, s1;
	s8 =	simm.s32 @!p0 $0x1BF5;
	p2 =	por !p2, p0  }
0x20: {  	[sflag:s8] =	ssyncset.s32 @!p0 $0xFFFFF086;
	s6 =	sadd.s32 @!p0 s3, s7;
	s7 =	simm.s32 @!p0 $0x108  }
0x21: {  	s3 =	sadd.s32 s3, s9;
	s6 =	sadd.s32 @!p0 $0x88, s6;
	s7 =	simm.s32 @p2 $0x1082  }
0x22: {  	[simem:s7], [sflag:s8] =	dma.local @!p0 [hbm:s6], $0xF7A  }
0x23: {  	s9 =	sor.u32 $0xD0000000, s2;
	s6 =	simm.s32 $0x108;
	_ =	swait.ge @!p0 [sflag:s8], $0x0  }
0x24: {  	s3 =	sadd.s32 $0x88, s3;
	s6 =	simm.s32 @!p1 $0x1082;
	[sflag:s4] =	ssyncset.s32 $0xFFFFF086  }
0x25: {  	[simem:s6], [sflag:s4] =	dma.local [hbm:s3], $0xF7A  }
0x26: {  	[smem:$0x3F9B] =	sst s1;
	(tag) =	ssettag s2;
	_ =	strace s9  }
0x27: {  	s1 =	sld [smem:$0x3FAB]  }
0x28: {  	s2 =	sld [smem:$0x3FAC]  }
0x29: {  	s4 =	sld [smem:$0x3FAE]  }
0x2a: {  	p0 =	seq.s32 s5, $0x0;
	s5 =	sld [smem:$0x3FAF]  }
0x2b: {  	s6 =	sld [smem:$0x3FB0]  }
0x2c: {  	s7 =	sld [smem:$0x3FB1]  }
0x2d: {  	s3 =	simm.s32 $0x108;
	s8 =	sld [smem:$0x3FB2]  }
0x2e: {  	s3 =	simm.s32 @!p0 $0x1082;
	s9 =	sld [smem:$0x3FB3]  }
0x2f: {  	lr =	sadd.s32 s0, s3;
	s0 =	sld [smem:$0x3FAA]  }
0x30: {  	s3 =	sld [smem:$0x3FAD]  }
0x31: {  	[smem:$0x3FB6] =	sst s10  }
0x32: {  	s10 =	sld [smem:$0x3FB4];
	_ =	sdelay $0x3  }
0x33: {  	p0 =	seq.s32 s10, $0x1;
	s10 =	sld [smem:$0x3FB6];
	_ =	sdelay $0x3  }
0x34: {  	[smem:$0x3FB6] =	sst s10  }
0x35: {  	s10 =	sld [smem:$0x3FB5];
	_ =	sdelay $0x3  }
0x36: {  	p1 =	seq.s32 s10, $0x1;
	s10 =	sld [smem:$0x3FB6];
	_ =	sdelay $0x3  }
0x37: {  	[smem:$0x3FB6] =	sst s10  }
0x38: {  	s10 =	sld [smem:$0x3FB7]  }
0x39: {  	_ = 	snop;
	(pc) =	sbr.ind lr, $3  }
0x3a: {  	_ = 	snop  }
0x3b: {  	_ = 	snop  }
0x3c: {  	p2 =	seq.s32 s10, $0x1;
	s10 =	sld [smem:$0x3FB6]  }
0x3d: {  	_ =	shalt  }
0x3e: {  	_ =	shalt  }
0x3f: {  	_ =	shalt  }
0x40: {  	_ =	shalt  }
0x41: {  	_ =	shalt  }
0x42: {  	_ =	shalt  }
0x43: {  	_ =	shalt  }
0x44: {  	_ =	shalt  }
0x45: {  	_ =	shalt  }
0x46: {  	_ =	shalt  }
0x47: {  	_ =	shalt  }
0x48: {  	_ =	shalt  }
0x49: {  	_ =	shalt  }
0x4a: {  	_ =	shalt  }
0x4b: {  	_ =	shalt  }
0x4c: {  	_ =	shalt  }
0x4d: {  	_ =	shalt  }
0x4e: {  	_ =	shalt  }
0x4f: {  	_ =	shalt  }
0x50: {  	_ =	shalt  }
0x51: {  	_ =	shalt  }
0x52: {  	_ =	shalt  }
0x53: {  	_ =	shalt  }
0x54: {  	_ =	shalt  }
0x55: {  	_ =	shalt  }
0x56: {  	_ =	shalt  }
0x57: {  	_ =	shalt  }
0x58: {  	_ =	shalt  }
0x59: {  	_ =	shalt  }
0x5a: {  	_ =	shalt  }
0x5b: {  	_ =	shalt  }
0x5c: {  	_ =	shalt  }
0x5d: {  	_ =	shalt  }
0x5e: {  	_ =	shalt  }
0x5f: {  	_ =	shalt  }
0x60: {  	_ =	shalt  }
0x61: {  	_ =	shalt  }
0x62: {  	_ =	shalt  }
0x63: {  	_ =	shalt  }
0x64: {  	_ =	shalt  }
0x65: {  	_ =	shalt  }
0x66: {  	_ =	shalt  }
0x67: {  	_ =	shalt  }
0x68: {  	_ =	shalt  }
0x69: {  	_ =	shalt  }
0x6a: {  	_ =	shalt  }
0x6b: {  	_ =	shalt  }
0x6c: {  	_ =	shalt  }
0x6d: {  	_ =	shalt  }
0x6e: {  	_ =	shalt  }
0x6f: {  	_ =	shalt  }
0x70: {  	_ =	shalt  }
0x71: {  	_ =	shalt  }
0x72: {  	_ =	shalt  }
0x73: {  	_ =	shalt  }
0x74: {  	_ =	shalt  }
0x75: {  	_ =	shalt  }
0x76: {  	_ =	shalt  }
0x77: {  	_ =	shalt  }
0x78: {  	_ =	shalt  }
0x79: {  	_ =	shalt  }
0x7a: {  	_ =	shalt  }
0x7b: {  	_ =	shalt  }
0x7c: {  	_ =	shalt  }
0x7d: {  	_ =	shalt  }
0x7e: {  	_ =	shalt  }
0x7f: {  	_ =	shalt  }
0x80: {  	_ =	shalt  }
0x81: {  	_ =	shalt  }
0x82: {  	_ =	shalt  }
0x83: {  	_ =	shalt  }
0x84: {  	_ =	shalt  }
0x85: {  	_ =	shalt  }
0x86: {  	_ =	shalt  }
0x87: {  	_ =	shalt  }
.Lfunc_end0:
.L_simem_size_0:
called_computation_lowered:
.L_overlay_start_0:
0x88: {  	s2 =	sld [smem:$0x3FD9]  }
0x89: {  	s3 =	sld [smem:$0x3FFE];
	_ =	sdelay $0x1  }
0x8a: {  	s1 =	srdreg.scid  }
0x8b: {  	s0 =	sand.u32 $0x1, s1  }
0x8c: {  	s18 =	sshll.u32 s0, $0xA;
	s2 =	sadd.s32 s3, s2  }
0x8d: {  	s2 =	sadd.s32 s2, s18  }
0x8e: {  	[smem:$0x3FC2] =	sst s2  }
0x8f: {  	_ = 	snop  }
0x90: {  	s2 =	sld [smem:$0x3FC9]  }
0x91: {  	s19 =	sld [smem:$0x3FC8]  }
0x92: {  	s4 =	sld [smem:$0x3FC7]  }
0x93: {  	s5 =	sld [smem:$0x3FC6]  }
0x94: {  	s6 =	sld [smem:$0x3FC5]  }
0x95: {  	s7 =	sld [smem:$0x3FC4]  }
0x96: {  	s8 =	sld [smem:$0x3FD0];
	(tm) =	ssettm $0x1  }
0x97: {  	s9 =	sld [smem:$0x3FFB];
	_ =	sdelay $0x3  }
0x98: {  	_ =	strace s9  }
0x99: {  	s9 =	sld [smem:$0x3FFC];
	_ =	sdelay $0x3  }
0x9a: {  	_ =	strace s9  }
0x9b: {  	s9 =	sld [smem:$0x3FFD];
	_ =	sdelay $0x3  }
0x9c: {  	_ =	strace s9  }
0x9d: {  	_ =	strace $0x8FFFFFFF  }
0x9e: {  	s20 =	sld [smem:$0x3FDB];
	_ =	sdelay $0x1  }
0x9f: {  	s10 =	simm.s32 $_scs_section_size  }
0xa0: {  	s11 =	simm.s32 $_size__tile_overlayer_lowered;
	s12 =	simm.s32 $_tile_overlayer_lowered  }
0xa1: {  	s23 =	simm.s32 $0x1BFF;
	s22 =	sshll.u32 s12, $0x1;
	s9 =	sadd.s32 s10, s20  }
0xa2: {  	s13 =	simm.s32 $0x0;
	s21 =	sshll.u32 s11, $0x1;
	s11 =	sadd.s32 s22, s9  }
0xa3: {  	[timem:s13], [sflag:s23] =	dma.local [hbm:s11], s21  }
0xa4: {  	_ =	swait.ge [sflag:s23], s21  }
0xa5: {  	s10 =	ssub.s32 $0x0, s21;
	[sflag:s23] =	ssyncset.done $0x0  }
0xa6: {  	[sflag:s23] =	ssyncadd.s32 s10;
	_ =	sdelay $0x1  }
0xa7: {  	s24 =	simm.s32 $0x1B8B  }
0xa8: {  	_ =	swait.ge [sflag:s24], $0x1  }
0xa9: {  	[sflag:s24] =	ssyncset.done $0x0  }
0xaa: {  	s25 =	simm.s32 $0x1B8E;
	[sflag:s24] =	ssyncadd.s32 $0xFFFFFFFF  }
0xab: {  	s26 =	simm.s32 $execute0_lowered;
	[smem:$0x3FD2] =	sst s25  }
0xac: {  	s10 =	sshll.u32 s26, $0x1;
	_ =	strace $0x80000046;
	[dreg:$0x1] =	wrdreg $0xFFFFFFFF  }
0xad: {  	s28 =	simm.s32 $_size_execute0_lowered;
	s9 =	sadd.s32 s9, s10;
	[dreg:$0x0] =	wrdreg $0x0  }
0xae: {  	s10 =	sshll.u32 s28, $0x1;
	[dreg:$0x2] =	wrdreg s9  }
0xaf: {  	[dreg:$0x3] =	wrdreg s10  }
0xb0: {  	[dreg:$0x4] =	wrdreg $0xC0  }
0xb1: {  	_ =	task [dreg:s13], $0x5FFFF  }
0xb2: {  	[dreg:$0x1] =	wrdreg $0xFFFFFFFF  }
0xb3: {  	[dreg:$0x0] =	wrdreg $0x60  }
0xb4: {  	[dreg:$0x2] =	wrdreg s2  }
0xb5: {  	[dreg:$0x3] =	wrdreg s19  }
0xb6: {  	[dreg:$0x4] =	wrdreg s4  }
0xb7: {  	[dreg:$0x5] =	wrdreg s5  }
0xb8: {  	[dreg:$0x6] =	wrdreg s6  }
0xb9: {  	[dreg:$0x7] =	wrdreg s7  }
0xba: {  	[dreg:$0x8] =	wrdreg s8  }
0xbb: {  	[dreg:$0x9] =	wrdreg $0x9  }
0xbc: {  	_ =	task.clear_ibuf [dreg:s13], $0xAFFFF;
	_ =	strace $0x90000046  }
0xbd: {  	s29 =	simm.s32 $0x9;
	_ =	strace $0x80000048  }
0xbe: {  	_ =	swait.ge [sflag:s29], $0x1  }
0xbf: {  	[sflag:s29] =	ssyncadd.s32 $0xFFFFFFFF  }
0xc0: {  	_ =	strace $0x90000048  }
0xc1: {  	_ =	sfence  }
0xc2: {  	s30 =	sld [smem:$0x0];
	_ =	sdelay $0x2  }
0xc3: {  	s31 =	sshll.u32 s1, $0xD;
	s1 =	sshrl.u32 s1, $0x2  }
0xc4: {  	s3 =	sand.u32 $0x4000, s31;
	s1 =	sadd.s32 s1, s30  }
0xc5: {  	s0 =	sor.u32 s3, s0;
	s1 =	sshll.u32 s1, $0x11  }
0xc6: {  	s0 =	sor.u32 s1, s0  }
0xc7: {  	s0 =	sadd.s32 $0x8F2B, s0  }
0xc8: {  	[sflag:s0] =	ssyncadd.remote.s32 $0x1  }
0xc9: {  	_ =	sfence.sel $0xFFFF  }
0xca: {  	[dreg:$0x0] =	wrdreg $0xFFFFFFFF;
	(pc) =	sbr.abs _section_cstart, $3  }
0xcb: {  	[dreg:$0x1] =	wrdreg $0xFFFFFFFF  }
0xcc: {  	_ =	task.clear_ibuf [dreg:s13], $0x2FFFF;
	_ =	strace $0x9FFFFFFF  }
0xcd: {  	(tm) =	ssettm $0x7FFFFFFF  }
tec
execute0_lowered:
.L_overlay_start_1:
0x0: {  	(tag) =	ssettag $0x1  }
0x1: {  	s3 =	rddreg [dreg:$0x0]  }
0x2: {  	s9 =	rddreg [dreg:$0x1]  }
0x3: {  	s0 =	rddreg [dreg:$0x2]  }
0x4: {  	s10 =	rddreg [dreg:$0x3]  }
0x5: {  	s2 =	rddreg [dreg:$0x4]  }
0x6: {  	s4 =	rddreg [dreg:$0x5];
	s5 =	srdreg.scid  }
0x7: {  	s1 =	stileid.u32;
	s13 =	rddreg [dreg:$0x6]  }
0x8: {  	s16 =	simm.s32 $0x3600;
	s17 =	simm.s32 $0x3800;
	s18 =	simm.s32 $0x4  }
0x9: {  	s19 =	simm.s32 $0x5;
	s20 =	simm.s32 $0x6;
	s21 =	simm.s32 $0x0  }
0xa: {  	s6 =	sand.u32 $0x1, s5;
	s7 =	sshll.u32 s1, $0x1;
	s5 =	simm.s32 $0x0  }
0xb: {  	s11 =	sadd.s32 $0x2F78, s3;
	s15 =	sor.u32 s6, s7;
	[smem:$0x7FF] =	sst s5  }
0xc: {  	s6 =	ssub.s32 $0x2, s6;
	s12 =	smul.u32 $0x188, s15;
	_ =	strace $0x80000047  }
0xd: {  	s31 =	sshrl.u32 s6, $0x1;
	p0 =	seq.s32 s15, $0x1F;
	s15 =	simm.s32 $0x3200  }
0xe: {  	s14 =	ssub.s32 s6, s31;
	s6 =	sadd.s32 s9, s12;
	s7 =	sadd.s32 s10, s12  }
0xf: {  	s8 =	sadd.s32 s3, s12;
	s9 =	sadd.s32 $0x2F78, s9;
	s10 =	sadd.s32 $0x2F78, s10  }
0x10: {  	s12 =	sadd.s32 s13, s12;
	s13 =	sadd.s32 $0x2F78, s13;
	s14 =	smax.u32 s14, $0x1  }
.LBB2_1:
0x11: {  	[tilespmem:s15], [sflag:$0x4] =	stream.linear.gather [hbm4b:s0+s5], $0x400, $0x38;
	[tilespmem:$0x3A00] =	vst v63  }
0x12: {  	_ = 	snop  }
0x13: {  	[tilespmem:s16], [sflag:$0x5] =	stream.linear.gather [hbm4b:s2+s5], $0x200, $0x38;
	[tilespmem:$0x3A00] =	vst v63  }
0x14: {  	_ = 	snop  }
0x15: {  	[tilespmem:s17], [sflag:$0x6] =	stream.linear.gather [hbm4b:s4+s5], $0x200, $0x38;
	[tilespmem:$0x3A00] =	vst v63  }
0x16: {  	s3 =	simm.s32 @p0 $0x0;
	s22 =	simm.s32 @p0 $0xC80  }
0x17: {  	[tilespmem:s22], [sflag:$0x1] =	stream.linear.gather @p0 [hbm4b:s9+s3], $0xAE0, $0x38;
	[tilespmem:$0x3A00] =	vst v63  }
0x18: {  	s22 =	simm.s32 @p0 $0x1900  }
0x19: {  	[tilespmem:s22], [sflag:$0x2] =	stream.linear.gather @p0 [hbm4b:s10+s3], $0xAE0, $0x38;
	[tilespmem:$0x3A00] =	vst v63  }
0x1a: {  	_ = 	snop  }
0x1b: {  	[tilespmem:s3], [sflag:$0x3] =	stream.linear.gather @p0 [hbm4b:s11+s3], $0xAE0, $0x38;
	[tilespmem:$0x3A00] =	vst v63  }
0x1c: {  	s3 =	simm.s32 @p0 $0x1  }
0x1d: {  	_ =	swait.ge @p0 [sflag:s3], $0xAE0  }
0x1e: {  	[sflag:s3] =	ssyncset.done @p0 $0x0  }
0x1f: {  	[sflag:s3] =	ssyncadd.s32 @p0 $0xFFFFF520;
	s3 =	simm.s32 @p0 $0x2  }
0x20: {  	_ =	swait.ge @p0 [sflag:s3], $0xAE0  }
0x21: {  	[sflag:s3] =	ssyncset.done @p0 $0x0  }
0x22: {  	[sflag:s3] =	ssyncadd.s32 @p0 $0xFFFFF520;
	s3 =	simm.s32 @p0 $0x3  }
0x23: {  	_ =	swait.ge @p0 [sflag:s3], $0xAE0  }
0x24: {  	[sflag:s3] =	ssyncset.done @p0 $0x0  }
0x25: {  	v0 =	vimm.s32 @p0 $0x0;
	[sflag:s3] =	ssyncadd.s32 @p0 $0xFFFFF520  }
0x26: {  	[tilespmem:$0x1760] =	vst @p0 v0  }
0x27: {  	[tilespmem:$0x23E0] =	vst @p0 v0  }
0x28: {  	[tilespmem:$0x1770] =	vst @p0 v0  }
0x29: {  	[tilespmem:$0x23F0] =	vst @p0 v0  }
0x2a: {  	[tilespmem:$0x1780] =	vst @p0 v0  }
0x2b: {  	[tilespmem:$0x2400] =	vst @p0 v0  }
0x2c: {  	[tilespmem:$0x1790] =	vst @p0 v0  }
0x2d: {  	[tilespmem:$0x2410] =	vst @p0 v0  }
0x2e: {  	[tilespmem:$0x17A0] =	vst @p0 v0  }
0x2f: {  	[tilespmem:$0x2420] =	vst @p0 v0  }
0x30: {  	[tilespmem:$0x17B0] =	vst @p0 v0  }
0x31: {  	[tilespmem:$0x2430] =	vst @p0 v0  }
0x32: {  	[tilespmem:$0x17C0] =	vst @p0 v0  }
0x33: {  	[tilespmem:$0x2440] =	vst @p0 v0  }
0x34: {  	[tilespmem:$0x17D0] =	vst @p0 v0  }
0x35: {  	[tilespmem:$0x2450] =	vst @p0 v0  }
0x36: {  	[tilespmem:$0x17E0] =	vst @p0 v0  }
0x37: {  	[tilespmem:$0x2460] =	vst @p0 v0  }
0x38: {  	[tilespmem:$0x17F0] =	vst @p0 v0  }
0x39: {  	[tilespmem:$0x2470] =	vst @p0 v0  }
0x3a: {  	[tilespmem:$0x1800] =	vst @p0 v0  }
0x3b: {  	[tilespmem:$0x2480] =	vst @p0 v0  }
0x3c: {  	[tilespmem:$0x1810] =	vst @p0 v0  }
0x3d: {  	[tilespmem:$0x2490] =	vst @p0 v0  }
0x3e: {  	[tilespmem:$0x1820] =	vst @p0 v0  }
0x3f: {  	[tilespmem:$0x24A0] =	vst @p0 v0  }
0x40: {  	[tilespmem:$0x1830] =	vst @p0 v0  }
0x41: {  	[tilespmem:$0x24B0] =	vst @p0 v0  }
0x42: {  	[tilespmem:$0x1840] =	vst @p0 v0  }
0x43: {  	[tilespmem:$0x24C0] =	vst @p0 v0  }
0x44: {  	[tilespmem:$0x1850] =	vst @p0 v0  }
0x45: {  	[tilespmem:$0x24D0] =	vst @p0 v0  }
0x46: {  	[tilespmem:$0x1860] =	vst @p0 v0  }
0x47: {  	[tilespmem:$0x24E0] =	vst @p0 v0  }
0x48: {  	[tilespmem:$0x1870] =	vst @p0 v0  }
0x49: {  	[tilespmem:$0x24F0] =	vst @p0 v0  }
0x4a: {  	[tilespmem:$0x1880] =	vst @p0 v0  }
0x4b: {  	[tilespmem:$0x2500] =	vst @p0 v0  }
0x4c: {  	[tilespmem:$0x1890] =	vst @p0 v0  }
0x4d: {  	[tilespmem:$0x2510] =	vst @p0 v0  }
0x4e: {  	[tilespmem:$0x18A0] =	vst @p0 v0  }
0x4f: {  	[tilespmem:$0x2520] =	vst @p0 v0  }
0x50: {  	[tilespmem:$0x18B0] =	vst @p0 v0  }
0x51: {  	s22 =	simm.s32 @!p0 $0xC80;
	s3 =	simm.s32 @!p0 $0x0;
	[tilespmem:$0x2530] =	vst @p0 v0  }
0x52: {  	[tilespmem:s22], [sflag:$0x1] =	stream.linear.gather @!p0 [hbm4b:s6+s3], $0xC40, $0x38;
	[tilespmem:$0x3A00] =	vst v63  }
0x53: {  	s22 =	simm.s32 @!p0 $0x1900  }
0x54: {  	[tilespmem:s22], [sflag:$0x2] =	stream.linear.gather @!p0 [hbm4b:s7+s3], $0xC40, $0x38;
	[tilespmem:$0x3A00] =	vst v63  }
0x55: {  	_ = 	snop  }
0x56: {  	[tilespmem:s3], [sflag:$0x3] =	stream.linear.gather @!p0 [hbm4b:s8+s3], $0xC40, $0x38;
	[tilespmem:$0x3A00] =	vst v63  }
0x57: {  	s3 =	simm.s32 @!p0 $0x1  }
0x58: {  	_ =	swait.ge @!p0 [sflag:s3], $0xC40  }
0x59: {  	[sflag:s3] =	ssyncset.done @!p0 $0x0  }
0x5a: {  	[sflag:s3] =	ssyncadd.s32 @!p0 $0xFFFFF3C0;
	s3 =	simm.s32 @!p0 $0x2  }
0x5b: {  	_ =	swait.ge @!p0 [sflag:s3], $0xC40  }
0x5c: {  	[sflag:s3] =	ssyncset.done @!p0 $0x0  }
0x5d: {  	[sflag:s3] =	ssyncadd.s32 @!p0 $0xFFFFF3C0;
	s3 =	simm.s32 @!p0 $0x3  }
0x5e: {  	_ =	swait.ge @!p0 [sflag:s3], $0xC40  }
0x5f: {  	[sflag:s3] =	ssyncset.done @!p0 $0x0  }
0x60: {  	[sflag:s3] =	ssyncadd.s32 @!p0 $0xFFFFF3C0  }
0x61: {  	_ =	swait.ge [sflag:s18], $0x400  }
0x62: {  	[sflag:s18] =	ssyncset.done $0x0  }
0x63: {  	[sflag:s18] =	ssyncadd.s32 $0xFFFFFC00  }
0x64: {  	_ =	swait.ge [sflag:s19], $0x200  }
0x65: {  	[sflag:s19] =	ssyncset.done $0x0  }
0x66: {  	[sflag:s19] =	ssyncadd.s32 $0xFFFFFE00  }
0x67: {  	_ =	swait.ge [sflag:s20], $0x200  }
0x68: {  	[sflag:s20] =	ssyncset.done $0x0  }
0x69: {  	s26 =	simm.s32 $0xCC0;
	[sflag:s20] =	ssyncadd.s32 $0xFFFFFE00  }
0x6a: {  	v0 =	vld [tilespmem:s26+$0x30]  }
0x6b: {  	v1 =	vld [tilespmem:s26+$0xFFFFFFD0]  }
0x6c: {  	v2 =	vld [tilespmem:s26+$0xFFFFFFE0]  }
0x6d: {  	v3 =	vld [tilespmem:s26+$0xFFFFFFF0]  }
0x6e: {  	v4 =	vld [tilespmem:s26+$0x0]  }
0x6f: {  	v5 =	vld [tilespmem:s26+$0x10]  }
0x70: {  	v6 =	vld [tilespmem:s26+$0x20]  }
0x71: {  	s22 =	simm.s32 $0x1940;
	v7 =	vld [tilespmem:s26+$0xFFFFFFC0]  }
0x72: {  	v8 =	vld [tilespmem:s22+$0x30]  }
0x73: {  	v10 =	vld [tilespmem:s22+$0xFFFFFFE0]  }
0x74: {  	s23 =	simm.s32 $0x40;
	v11 =	vld [tilespmem:s22+$0xFFFFFFF0]  }
0x75: {  	v13 =	vld [tilespmem:s23+$0x30]  }
0x76: {  	v16 =	vld [tilespmem:s22+$0x0]  }
0x77: {  	v17 =	vld [tilespmem:s23+$0xFFFFFFF0]  }
0x78: {  	v21 =	vld [tilespmem:s23+$0x0]  }
0x79: {  	v0 =	vld.idx.msk [tilespmem:v0+s15+$0x0], $0xffff  }
0x7a: {  	v1 =	vld.idx.msk [tilespmem:v1+s15+$0x0], $0xffff  }
0x7b: {  	v2 =	vld.idx.msk [tilespmem:v2+s15+$0x0], $0xffff  }
0x7c: {  	v3 =	vld.idx.msk [tilespmem:v3+s15+$0x0], $0xffff  }
0x7d: {  	v4 =	vld.idx.msk [tilespmem:v4+s15+$0x0], $0xffff  }
0x7e: {  	v9 =	vand.u32 $0xFFFFFF80, v8;
	v7 =	vld.idx.msk [tilespmem:v7+s15+$0x0], $0xffff;
	v0 =	vshll.u32 v0, $0x7  }
0x7f: {  	v8 =	vand.u32 $0x7F, v8;
	v0 =	vadd.s32 v9, v0;
	v9 =	vld [tilespmem:s22+$0xFFFFFFD0]  }
0x80: {  	v0 =	vor.u32 v8, v0;
	v8 =	vld [tilespmem:s22+$0xFFFFFFC0]  }
0x81: {  	v22 =	vld [tilespmem:s23+$0x10]  }
0x82: {  	v26 =	vld [tilespmem:s23+$0x20]  }
0x83: {  	v5 =	vld.idx.msk [tilespmem:v5+s15+$0x0], $0xffff;
	v1 =	vshll.u32 v1, $0x7;
	v2 =	vshll.u32 v2, $0x7  }
0x84: {  	v6 =	vld.idx.msk [tilespmem:v6+s15+$0x0], $0xffff;
	v3 =	vshll.u32 v3, $0x7;
	v7 =	vshll.u32 v7, $0x7;
	v4 =	vshll.u32 v4, $0x7  }
0x85: {  	v15 =	vand.u32 $0xFFFFFF80, v9;
	v9 =	vand.u32 $0x7F, v9;
	v12 =	vld.idx.msk [tilespmem:v0+s17+$0x0], $0xffff;
	v14 =	vand.u32 $0xFFFFFF80, v8  }
0x86: {  	v0 =	vld.idx.msk [tilespmem:v0+s16+$0x0], $0xffff;
	v8 =	vand.u32 $0x7F, v8;
	v1 =	vadd.s32 v15, v1;
	v15 =	vand.u32 $0xFFFFFF80, v10  }
0x87: {  	v10 =	vand.u32 $0x7F, v10;
	v7 =	vadd.s32 v14, v7;
	v14 =	vld [tilespmem:s22+$0x10];
	v1 =	vor.u32 v9, v1  }
0x88: {  	v2 =	vadd.s32 v15, v2;
	v15 =	vand.u32 $0xFFFFFF80, v11;
	v7 =	vor.u32 v8, v7;
	v8 =	vld [tilespmem:s22+$0x20]  }
0x89: {  	v9 =	vld [tilespmem:s23+$0xFFFFFFC0];
	v11 =	vand.u32 $0x7F, v11;
	v3 =	vadd.s32 v15, v3;
	v2 =	vor.u32 v10, v2  }
0x8a: {  	v10 =	vld [tilespmem:s23+$0xFFFFFFD0];
	v11 =	vor.u32 v11, v3;
	v3 =	vshll.u32 v6, $0x7;
	v6 =	vand.u32 $0xFFFFFF80, v16  }
0x8b: {  	v15 =	vld [tilespmem:s23+$0xFFFFFFE0];
	v16 =	vand.u32 $0x7F, v16;
	v4 =	vadd.s32 v6, v4  }
0x8c: {  	v5 =	vshll.u32 v5, $0x7;
	v16 =	vor.u32 v16, v4;
	v6 =	vand.u32 $0xFFFFFF80, v14;
	v19 =	vld.idx.msk [tilespmem:v1+s17+$0x0], $0xffff  }
0x8d: {  	v14 =	vand.u32 $0x7F, v14;
	v18 =	vld.idx.msk [tilespmem:v7+s17+$0x0], $0xffff;
	v5 =	vadd.s32 v6, v5;
	v6 =	vand.u32 $0xFFFFFF80, v8  }
0x8e: {  	v4 =	vand.u32 $0x7F, v8;
	v27 =	vld.idx.msk [tilespmem:v7+s16+$0x0], $0xffff;
	v14 =	vor.u32 v14, v5;
	v3 =	vadd.s32 v6, v3  }
0x8f: {  	v8 =	vld.idx.msk [tilespmem:v1+s16+$0x0], $0xffff;
	v20 =	vor.u32 v4, v3  }
0x90: {  	v5 =	vld.idx.msk [tilespmem:v2+s17+$0x0], $0xffff  }
0x91: {  	v6 =	vld.idx.msk [tilespmem:v11+s17+$0x0], $0xffff  }
0x92: {  	v23 =	vld.idx.msk [tilespmem:v16+s17+$0x0], $0xffff  }
0x93: {  	v24 =	vld.idx.msk [tilespmem:v14+s17+$0x0], $0xffff  }
0x94: {  	v4 =	vmul.f32 v13, v12;
	v25 =	vld.idx.msk [tilespmem:v20+s17+$0x0], $0xffff  }
0x95: {  	v3 =	vld.idx.msk [tilespmem:v2+s16+$0x0], $0xffff  }
0x96: {  	v1 =	vadd.f32 v4, v0;
	v4 =	vld.idx.msk [tilespmem:v11+s16+$0x0], $0xffff;
	v2 =	vmul.f32 v10, v19  }
0x97: {  	s30 =	simm.s32 $0x25C0;
	s31 =	simm.s32 $0x0;
	v12 =	vmul.f32 v9, v18;
	v0 =	vmul.f32 v15, v5;
	v5 =	vld.idx.msk [tilespmem:v16+s16+$0x0], $0xffff  }
0x98: {  	s24 =	simm.s32 $0x2500;
	s25 =	simm.s32 $0x1880;
	s28 =	simm.s32 $0x3180;
	[tilespmem:s30+$0x30] =	vst v1;
	v1 =	vmul.f32 v17, v6;
	v10 =	vld.idx.msk [tilespmem:v14+s16+$0x0], $0xffff;
	v7 =	vmul.f32 v21, v23  }
0x99: {  	s29 =	simm.s32 $0xC00;
	s3 =	simm.s32 $0xD40;
	s26 =	simm.s32 $0xBF0;
	v12 =	vadd.f32 v12, v27;
	v11 =	vld.idx.msk [tilespmem:v20+s16+$0x0], $0xffff;
	v9 =	vmul.f32 v22, v24;
	v6 =	vmul.f32 v26, v25  }
.LBB2_2:
0x9a: {  	v13 =	vld [tilespmem:s3+$0x30];
	s31 =	sadd.s32 $0x80, s31;
	v2 =	vadd.f32 v2, v8  }
0x9b: {  	v0 =	vadd.f32 v0, v3;
	v8 =	vld [tilespmem:s3+$0xFFFFFFD0];
	p1 =	slt.u32 s31, $0xB80;
	[tilespmem:s30+$0xFFFFFFC0] =	vst v12  }
0x9c: {  	v1 =	vadd.f32 v1, v4;
	v3 =	vld [tilespmem:s3+$0xFFFFFFE0];
	[tilespmem:s30+$0xFFFFFFD0] =	vst v2  }
0x9d: {  	v2 =	vld [tilespmem:s3+$0xFFFFFFF0];
	[tilespmem:s30+$0xFFFFFFE0] =	vst v0;
	v0 =	vadd.f32 v7, v5  }
0x9e: {  	v4 =	vld [tilespmem:s3+$0x0];
	[tilespmem:s30+$0xFFFFFFF0] =	vst v1;
	v1 =	vadd.f32 v9, v10  }
0x9f: {  	v5 =	vld [tilespmem:s3+$0x10];
	[tilespmem:s30+$0x0] =	vst v0;
	v0 =	vadd.f32 v6, v11  }
0xa0: {  	v6 =	vld [tilespmem:s3+$0x20];
	[tilespmem:s30+$0x10] =	vst v1  }
0xa1: {  	v1 =	vld [tilespmem:s3+$0xFFFFFFC0];
	[tilespmem:s30+$0x20] =	vst v0  }
0xa2: {  	s22 =	sadd.s32 $0x80, s22;
	v0 =	vld.idx.msk [tilespmem:v13+s15+$0x0], $0xffff  }
0xa3: {  	v7 =	vld [tilespmem:s22+$0x30]  }
0xa4: {  	v8 =	vld.idx.msk [tilespmem:v8+s15+$0x0], $0xffff  }
0xa5: {  	v3 =	vld.idx.msk [tilespmem:v3+s15+$0x0], $0xffff  }
0xa6: {  	v2 =	vld.idx.msk [tilespmem:v2+s15+$0x0], $0xffff  }
0xa7: {  	v4 =	vld.idx.msk [tilespmem:v4+s15+$0x0], $0xffff  }
0xa8: {  	v0 =	vshll.u32 v0, $0x7;
	v5 =	vld.idx.msk [tilespmem:v5+s15+$0x0], $0xffff;
	v9 =	vand.u32 $0xFFFFFF80, v7  }
0xa9: {  	v7 =	vand.u32 $0x7F, v7;
	v1 =	vld.idx.msk [tilespmem:v1+s15+$0x0], $0xffff;
	v0 =	vadd.s32 v9, v0  }
0xaa: {  	v8 =	vshll.u32 v8, $0x7;
	v6 =	vld.idx.msk [tilespmem:v6+s15+$0x0], $0xffff;
	v0 =	vor.u32 v7, v0  }
0xab: {  	v3 =	vshll.u32 v3, $0x7;
	v7 =	vld [tilespmem:s22+$0xFFFFFFC0]  }
0xac: {  	v2 =	vshll.u32 v2, $0x7;
	v9 =	vld [tilespmem:s22+$0xFFFFFFD0]  }
0xad: {  	v4 =	vshll.u32 v4, $0x7;
	v10 =	vld [tilespmem:s22+$0xFFFFFFE0]  }
0xae: {  	v5 =	vshll.u32 v5, $0x7;
	v11 =	vld [tilespmem:s22+$0xFFFFFFF0]  }
0xaf: {  	s23 =	sadd.s32 $0x80, s23;
	v1 =	vshll.u32 v1, $0x7;
	v12 =	vld.idx.msk [tilespmem:v0+s17+$0x0], $0xffff  }
0xb0: {  	v6 =	vshll.u32 v6, $0x7;
	v13 =	vand.u32 $0xFFFFFF80, v7;
	v7 =	vand.u32 $0x7F, v7;
	v14 =	vld [tilespmem:s23+$0x30]  }
0xb1: {  	v1 =	vadd.s32 v13, v1;
	v13 =	vand.u32 $0xFFFFFF80, v9;
	v9 =	vand.u32 $0x7F, v9;
	v0 =	vld.idx.msk [tilespmem:v0+s16+$0x0], $0xffff  }
0xb2: {  	v8 =	vadd.s32 v13, v8;
	v13 =	vand.u32 $0xFFFFFF80, v10;
	v10 =	vand.u32 $0x7F, v10;
	v15 =	vld [tilespmem:s22+$0x0]  }
0xb3: {  	v3 =	vadd.s32 v13, v3;
	v13 =	vand.u32 $0xFFFFFF80, v11;
	v11 =	vand.u32 $0x7F, v11;
	v16 =	vld [tilespmem:s22+$0x10]  }
0xb4: {  	v7 =	vor.u32 v7, v1;
	v8 =	vor.u32 v9, v8;
	v1 =	vadd.s32 v13, v2;
	v2 =	vld [tilespmem:s22+$0x20]  }
0xb5: {  	v3 =	vor.u32 v10, v3;
	v9 =	vld [tilespmem:s23+$0xFFFFFFC0];
	v10 =	vor.u32 v11, v1;
	v1 =	vmul.f32 v14, v12  }
0xb6: {  	v11 =	vld [tilespmem:s23+$0xFFFFFFD0]  }
0xb7: {  	v12 =	vld [tilespmem:s23+$0xFFFFFFE0];
	v13 =	vand.u32 $0xFFFFFF80, v15;
	v14 =	vand.u32 $0x7F, v15;
	v0 =	vadd.f32 v1, v0  }
0xb8: {  	s30 =	sadd.s32 $0x80, s30;
	v1 =	vld [tilespmem:s23+$0xFFFFFFF0];
	v4 =	vadd.s32 v13, v4;
	v13 =	vand.u32 $0xFFFFFF80, v16;
	v15 =	vand.u32 $0x7F, v16  }
0xb9: {  	v16 =	vld.idx.msk [tilespmem:v7+s17+$0x0], $0xffff;
	v5 =	vadd.s32 v13, v5;
	v13 =	vand.u32 $0xFFFFFF80, v2;
	v2 =	vand.u32 $0x7F, v2;
	[tilespmem:s30+$0x30] =	vst v0  }
0xba: {  	v14 =	vor.u32 v14, v4;
	v0 =	vld.idx.msk [tilespmem:v8+s17+$0x0], $0xffff;
	v15 =	vor.u32 v15, v5;
	v4 =	vadd.s32 v13, v6  }
0xbb: {  	v5 =	vld.idx.msk [tilespmem:v3+s17+$0x0], $0xffff;
	v13 =	vor.u32 v2, v4  }
0xbc: {  	v4 =	vld.idx.msk [tilespmem:v10+s17+$0x0], $0xffff  }
0xbd: {  	v6 =	vld [tilespmem:s23+$0x0]  }
0xbe: {  	v17 =	vld [tilespmem:s23+$0x10]  }
0xbf: {  	v16 =	vmul.f32 v9, v16;
	v9 =	vld.idx.msk [tilespmem:v14+s17+$0x0], $0xffff  }
0xc0: {  	v2 =	vmul.f32 v11, v0;
	v11 =	vld.idx.msk [tilespmem:v15+s17+$0x0], $0xffff  }
0xc1: {  	v0 =	vmul.f32 v12, v5;
	v12 =	vld.idx.msk [tilespmem:v13+s17+$0x0], $0xffff  }
0xc2: {  	v1 =	vmul.f32 v1, v4;
	v18 =	vld [tilespmem:s23+$0x20]  }
0xc3: {  	v19 =	vld.idx.msk [tilespmem:v7+s16+$0x0], $0xffff  }
0xc4: {  	v8 =	vld.idx.msk [tilespmem:v8+s16+$0x0], $0xffff  }
.Ltmp0:
0xc5: {  	v7 =	vmul.f32 v6, v9;
	v3 =	vld.idx.msk [tilespmem:v3+s16+$0x0], $0xffff;
	(pc) =	sbr.rel @p1 .LBB2_2-.Ltmp0, $4  }
0xc6: {  	v9 =	vmul.f32 v17, v11;
	v4 =	vld.idx.msk [tilespmem:v10+s16+$0x0], $0xffff  }
0xc7: {  	v5 =	vld.idx.msk [tilespmem:v14+s16+$0x0], $0xffff;
	v6 =	vmul.f32 v18, v12  }
0xc8: {  	v10 =	vld.idx.msk [tilespmem:v15+s16+$0x0], $0xffff  }
0xc9: {  	s3 =	sadd.s32 $0x80, s3;
	v12 =	vadd.f32 v16, v19;
	v11 =	vld.idx.msk [tilespmem:v13+s16+$0x0], $0xffff  }
0xca: {  	v2 =	vadd.f32 v2, v8  }
0xcb: {  	v0 =	vadd.f32 v0, v3;
	[tilespmem:s30+$0xFFFFFFC0] =	vst v12  }
0xcc: {  	v1 =	vadd.f32 v1, v4;
	[tilespmem:s30+$0xFFFFFFD0] =	vst v2  }
0xcd: {  	[tilespmem:s30+$0xFFFFFFE0] =	vst v0;
	v61 =	vadd.f32 v7, v5  }
0xce: {  	[tilespmem:s30+$0xFFFFFFF0] =	vst v1;
	v62 =	vadd.f32 v9, v10  }
0xcf: {  	[tilespmem:s30+$0x0] =	vst v61;
	v63 =	vadd.f32 v6, v11  }
0xd0: {  	[tilespmem:s30+$0x10] =	vst v62  }
0xd1: {  	[tilespmem:s30+$0x20] =	vst v63  }
.LBB2_4:
0xd2: {  	v0 =	vld [tilespmem:s25+$0x0];
	_ =	sdelay $0x6  }
0xd3: {  	v1 =	vld [tilespmem:s24+$0x0]  }
0xd4: {  	v0 =	vld.idx.msk [tilespmem:v0+s15+$0x0], $0xffff;
	_ =	sdelay $0x4  }
0xd5: {  	v2 =	vand.u32 $0xFFFFFF80, v1;
	v0 =	vshll.u32 v0, $0x7  }
0xd6: {  	v1 =	vand.u32 $0x7F, v1;
	v0 =	vadd.s32 v2, v0  }
0xd7: {  	v0 =	vor.u32 v1, v0;
	_ =	sdelay $0x3  }
0xd8: {  	v63 =	vld [tilespmem:s29+$0x0]  }
0xd9: {  	v1 =	vld.idx.msk [tilespmem:v0+s17+$0x0], $0xffff;
	_ =	sdelay $0x1  }
0xda: {  	v0 =	vld.idx.msk [tilespmem:v0+s16+$0x0], $0xffff  }
0xdb: {  	s26 =	sadd.s32 $0x10, s26  }
0xdc: {  	p1 =	slt.u32 s26, $0xC30  }
.Ltmp1:
0xdd: {  	v1 =	vmul.f32 v63, v1;
	(pc) =	sbr.rel @p1 .LBB2_4-.Ltmp1, $4  }
0xde: {  	_ = 	snop  }
0xdf: {  	v0 =	vadd.f32 v1, v0  }
0xe0: {  	s29 =	sadd.s32 $0x10, s29  }
0xe1: {  	s24 =	sadd.s32 $0x10, s24;
	s25 =	sadd.s32 $0x10, s25;
	[tilespmem:s28+$0x0] =	vst v0;
	s28 =	sadd.s32 $0x10, s28  }
0xe2: {  	s3 =	simm.s32 @p0 $0x0;
	s22 =	simm.s32 @p0 $0x2580  }
0xe3: {  	[hbm4b:s13+s3] =	stream.linear.scatter @p0 [tilespmem:s22], [sflag:$0x7], $0xAE0, $0x38;
	[tilespmem:$0x3A00] =	vst v63  }
0xe4: {  	s3 =	simm.s32 @p0 $0x7  }
0xe5: {  	_ =	swait.ge @p0 [sflag:s3], $0xAE0  }
0xe6: {  	s21 =	sadd.s32 $0x1, s21;
	s22 =	simm.s32 @!p0 $0x2580;
	[sflag:s3] =	ssyncset.done @p0 $0x0  }
0xe7: {  	p1 =	sne.s32 s21, s14;
	[sflag:s3] =	ssyncadd.s32 @p0 $0xFFFFF520;
	s3 =	simm.s32 @!p0 $0x0  }
0xe8: {  	[hbm4b:s12+s3] =	stream.linear.scatter @!p0 [tilespmem:s22], [sflag:$0x7], $0xC40, $0x38;
	[tilespmem:$0x3A00] =	vst v63  }
.Ltmp2:
0xe9: {  	_ = 	snop;
	(pc) =	sbr.rel @p1 .LBB2_1-.Ltmp2, $4  }
0xea: {  	s3 =	simm.s32 @!p0 $0x7  }
0xeb: {  	_ =	swait.ge @!p0 [sflag:s3], $0xC40  }
0xec: {  	[sflag:s3] =	ssyncset.done @!p0 $0x0  }
0xed: {  	[sflag:s3] =	ssyncadd.s32 @!p0 $0xFFFFF3C0  }
0xee: {  	_ =	sfence.sel $0x180000  }
0xef: {  	[bflag:$0x0] =	sbarrier.arrive $0xFFFF  }
0xf0: {  	_ =	strace $0x90000047  }
0xf1: {  	[bflag:$0x2] =	sbarrier.arrive $0xFFFF  }
0xf2: {  	p0 =	sne.s32 s1, $0x0;
	s0 =	rddreg [dreg:$0x7]  }
0xf3: {  	s0 =	sadd.s32 @!p0 $0x100000, s0  }
0xf4: {  	[sflag:s0] =	ssyncadd.tile.s32 @!p0 $0x1;
	_ =	shalt  }
.Lfunc_end2:
_tile_overlayer_lowered:
.L_overlay_start_2:
0xf5: {  	(tag) =	ssettag $0x2  }
0xf6: {  	s0 =	rddreg [dreg:$0x0];
	s2 =	stileid.u32  }
0xf7: {  	s1 =	rddreg [dreg:$0x1];
	p0 =	sne.s32 s2, $0x0  }
0xf8: {  	s3 =	rddreg [dreg:$0x2];
	[bflag:$0x3] =	sbarrier.arrive $0xFFFF;
	s2 =	simm.s32 @!p0 $0x1C07  }
0xf9: {  	[timem:s3], [sflag:s2] =	dma.local @!p0 [hbm:s0], s1  }
0xfa: {  	s0 =	simm.s32 @!p0 $0x7  }
0xfb: {  	_ =	swait.ge @!p0 [sflag:s0], s1  }
0xfc: {  	s1 =	ssub.s32 @!p0 $0x0, s1;
	[sflag:s0] =	ssyncset.done @!p0 $0x0  }
0xfd: {  	[sflag:s0] =	ssyncadd.s32 @!p0 s1  }
0xfe: {  	[bflag:$0x3] =	sbarrier.arrive $0xFFFF  }
0xff: {  	_ =	shalt  }

</sc_bundles>
